<compile_context>
chip_gen: v7x
topology: tpu7x:2x2x1
jax: 0.10.2.dev20260603
libtpu: 0.0.44.dev20260713+nightly
codegen_flags: <defaults>
</compile_context>

<pallas_src>
import functools

import jax
import jax.numpy as jnp
from jax import lax
from jax.experimental import pallas as pl
from jax.experimental.pallas import tpu as pltpu
from jax.experimental.pallas import tpu_sc as plsc

N = 10000
NC, NS, L = 2, 16, 16
NW = NC * NS
K = 128
ROWS_PER_TILE = 640
N_ACC = NS * ROWS_PER_TILE
ZCHUNK = 16
EPS = 1e-5
SLOPE = 0.01


def _sc_mesh():
    return plsc.VectorSubcoreMesh(core_axis_name="c", subcore_axis_name="s")



def _make_deg_kernel(e_pad):
    epw = e_pad // NW
    n_chunks = epw // K

    @functools.partial(
        pl.kernel,
        out_type=jax.ShapeDtypeStruct((NC, N_ACC), jnp.float32),
        mesh=_sc_mesh(),
        scratch_types=[
            pltpu.VMEM((K,), jnp.int32),
            pltpu.VMEM((K,), jnp.float32),
            pltpu.VMEM((ROWS_PER_TILE,), jnp.float32),
            pltpu.VMEM_SHARED((N_ACC,), jnp.float32),
        ],
    )
    def deg_kernel(dst_hbm, out_hbm, dstv, ones_v, zv, acc):
        cid = lax.axis_index("c")
        sid = lax.axis_index("s")
        wid = cid * NS + sid

        def init_ones(i, _):
            ones_v[pl.ds(i * L, L)] = jnp.full((L,), 1.0, jnp.float32)
            return 0

        lax.fori_loop(0, K // L, init_ones, 0)

        def init_z(i, _):
            zv[pl.ds(i * L, L)] = jnp.zeros((L,), jnp.float32)
            return 0

        lax.fori_loop(0, ROWS_PER_TILE // L, init_z, 0)

        pltpu.sync_copy(zv, acc.at[pl.ds(sid * ROWS_PER_TILE, ROWS_PER_TILE)])
        plsc.subcore_barrier()

        def step(i, _):
            base = wid * epw + i * K
            pltpu.sync_copy(dst_hbm.at[pl.ds(base, K)], dstv)
            pltpu.sync_copy(ones_v, acc.at[dstv], add=True)
            return 0

        lax.fori_loop(0, n_chunks, step, 0)
        plsc.subcore_barrier()
        pltpu.sync_copy(
            acc.at[pl.ds(sid * ROWS_PER_TILE, ROWS_PER_TILE)],
            out_hbm.at[cid, pl.ds(sid * ROWS_PER_TILE, ROWS_PER_TILE)],
        )

    return deg_kernel


def _make_agg_kernel(e_pad, d):
    epw = e_pad // NW
    n_chunks = epw // K

    @functools.partial(
        pl.kernel,
        out_type=jax.ShapeDtypeStruct((NC, N_ACC, d), jnp.float32),
        mesh=_sc_mesh(),
        scratch_types=[
            pltpu.VMEM((K,), jnp.int32),
            pltpu.VMEM((K,), jnp.int32),
            pltpu.VMEM((K, d), jnp.float32),
            pltpu.VMEM((ZCHUNK, d), jnp.float32),
            pltpu.VMEM_SHARED((N_ACC, d), jnp.float32),
            pltpu.SemaphoreType.DMA,
        ],
    )
    def agg_kernel(hs_hbm, src_hbm, dst_hbm, out_hbm,
                   srcv, dstv, rows, zrows, acc, sem):
        cid = lax.axis_index("c")
        sid = lax.axis_index("s")
        wid = cid * NS + sid

        def zinit(i, _):
            r = i // (d // L)
            c = (i % (d // L)) * L
            zrows[r, pl.ds(c, L)] = jnp.zeros((L,), jnp.float32)
            return 0

        lax.fori_loop(0, ZCHUNK * d // L, zinit, 0)

        def zacc(i, _):
            pltpu.sync_copy(
                zrows, acc.at[pl.ds(sid * ROWS_PER_TILE + i * ZCHUNK, ZCHUNK)])
            return 0

        lax.fori_loop(0, ROWS_PER_TILE // ZCHUNK, zacc, 0)
        plsc.subcore_barrier()

        def step(i, _):
            base = wid * epw + i * K
            pltpu.sync_copy(src_hbm.at[pl.ds(base, K)], srcv)
            pltpu.sync_copy(dst_hbm.at[pl.ds(base, K)], dstv)
            pltpu.async_copy(hs_hbm.at[srcv], rows, sem).wait()
            pltpu.sync_copy(rows, acc.at[dstv], add=True)
            return 0

        lax.fori_loop(0, n_chunks, step, 0)
        plsc.subcore_barrier()
        pltpu.sync_copy(
            acc.at[pl.ds(sid * ROWS_PER_TILE, ROWS_PER_TILE)],
            out_hbm.at[cid, pl.ds(sid * ROWS_PER_TILE, ROWS_PER_TILE)],
        )

    return agg_kernel



def _tc_first(degp_ref, x_ref, w_ref, hs_ref, dinv_ref):
    deg = degp_ref[0, :N] + degp_ref[1, :N] + 1.0
    dinv = lax.rsqrt(deg)[:, None]
    h = jnp.dot(x_ref[...], w_ref[...], preferred_element_type=jnp.float32)
    hs_ref[:N, :] = h * dinv
    hs_ref[N:, :] = jnp.zeros((N_ACC - N, h.shape[1]), jnp.float32)
    dinv_ref[...] = dinv


def _tc_mid(din, dout, p_ref, hs_ref, dinv_ref, b_ref, g_ref, be_ref, w_ref,
            out_ref):
    dinv = dinv_ref[...]
    y = ((p_ref[0, :N, :din] + p_ref[1, :N, :din] + hs_ref[:N, :din]) * dinv
         + b_ref[...])
    mean = jnp.mean(y, axis=0)
    var = jnp.mean((y - mean) ** 2, axis=0)
    yn = (y - mean) * lax.rsqrt(var + EPS) * g_ref[...] + be_ref[...]
    z = jnp.where(yn >= 0, yn, SLOPE * yn)
    h = jnp.dot(z, w_ref[...], preferred_element_type=jnp.float32)
    out_ref[:N, :dout] = h * dinv
    if dout < 128:
        out_ref[:N, dout:] = jnp.zeros((N, 128 - dout), jnp.float32)
    out_ref[N:, :] = jnp.zeros((N_ACC - N, 128), jnp.float32)


def _tc_last(p_ref, hs_ref, dinv_ref, b_ref, out_ref):
    y = (p_ref[0, :N, :] + p_ref[1, :N, :] + hs_ref[:N, :]) * dinv_ref[...]
    out_ref[...] = y + b_ref[...]



def kernel(x, edge_index, W1, b1, g1, be1, W2, b2, g2, be2, W3, b3):
    e = edge_index.shape[1]
    e_pad = ((e + NW * K - 1) // (NW * K)) * (NW * K)
    src = edge_index[0].astype(jnp.int32)
    dst = edge_index[1].astype(jnp.int32)
    pad = jnp.full((e_pad - e,), N, jnp.int32)
    src_p = jnp.concatenate([src, pad])
    dst_p = jnp.concatenate([dst, pad])

    deg_k = _make_deg_kernel(e_pad)
    agg128 = _make_agg_kernel(e_pad, 128)

    degp = deg_k(dst_p)

    hs1, dinv = pl.pallas_call(
        _tc_first,
        out_shape=(
            jax.ShapeDtypeStruct((N_ACC, 128), jnp.float32),
            jax.ShapeDtypeStruct((N, 1), jnp.float32),
        ),
    )(degp, x, W1)

    p1 = agg128(hs1, src_p, dst_p)

    hs2 = pl.pallas_call(
        functools.partial(_tc_mid, 128, 64),
        out_shape=jax.ShapeDtypeStruct((N_ACC, 128), jnp.float32),
    )(p1, hs1, dinv, b1, g1, be1, W2)

    p2 = agg128(hs2, src_p, dst_p)

    hs3 = pl.pallas_call(
        functools.partial(_tc_mid, 64, 128),
        out_shape=jax.ShapeDtypeStruct((N_ACC, 128), jnp.float32),
    )(p2, hs2, dinv, b2, g2, be2, W3)

    p3 = agg128(hs3, src_p, dst_p)

    out = pl.pallas_call(
        _tc_last,
        out_shape=jax.ShapeDtypeStruct((N, 128), jnp.float32),
    )(p3, hs3, dinv, b3)

    return out

# --- scband reference (transcript-rebuilt; emitter-appended) ---
"""Pipeline reference for scband-gcnencoder-82781199663549 (READ-ONLY COPY).

The authoritative reference and input builder live on the scoring server;
editing this copy changes nothing except your own understanding.
"""

import jax, jax.numpy as jnp
import numpy as np

N_NODES = 10000
N_EDGES = 320000
IN_CH = 128
HID = 128
HID2 = 64


def gcn_conv(x, edge_index, W, b):
    n = x.shape[0]
    src = edge_index[0]
    dst = edge_index[1]
    loop = jnp.arange(n, dtype=src.dtype)
    src = jnp.concatenate([src, loop])
    dst = jnp.concatenate([dst, loop])
    deg = jax.ops.segment_sum(jnp.ones(src.shape[0], x.dtype), dst, num_segments=n)
    dinv = jnp.where(deg > 0, jax.lax.rsqrt(deg), 0.0)
    norm = dinv[src] * dinv[dst]
    h = x @ W
    msg = h[src] * norm[:, None]
    out = jax.ops.segment_sum(msg, dst, num_segments=n)
    return out + b


def batch_norm(x, gamma, beta, eps=1e-5):
    mean = jnp.mean(x, axis=0)
    var = jnp.mean((x - mean) ** 2, axis=0)
    return (x - mean) * jax.lax.rsqrt(var + eps) * gamma + beta


def leaky_relu(x, slope=0.01):
    return jnp.where(x >= 0, x, slope * x)


def setup_inputs(seed: int = 0) -> dict:
    key = jax.random.key(seed)
    ks = jax.random.split(key, 8)
    x = jax.random.normal(ks[0], (N_NODES, IN_CH), dtype=jnp.float32)
    edge_index = jax.random.randint(ks[1], (2, N_EDGES), 0, N_NODES, dtype=jnp.int64)
    W1 = jax.random.normal(ks[2], (IN_CH, HID), dtype=jnp.float32) * (1.0 / np.sqrt(IN_CH))
    b1 = jnp.zeros((HID,), dtype=jnp.float32)
    g1 = jnp.ones((HID,), dtype=jnp.float32)
    be1 = jnp.zeros((HID,), dtype=jnp.float32)
    W2 = jax.random.normal(ks[3], (HID, HID2), dtype=jnp.float32) * (1.0 / np.sqrt(HID))
    b2 = jnp.zeros((HID2,), dtype=jnp.float32)
    g2 = jnp.ones((HID2,), dtype=jnp.float32)
    be2 = jnp.zeros((HID2,), dtype=jnp.float32)
    W3 = jax.random.normal(ks[4], (HID2, IN_CH), dtype=jnp.float32) * (1.0 / np.sqrt(HID2))
    b3 = jnp.zeros((IN_CH,), dtype=jnp.float32)
    return {"x": x, "edge_index": edge_index, "W1": W1, "b1": b1, "g1": g1, "be1": be1,
            "W2": W2, "b2": b2, "g2": g2, "be2": be2, "W3": W3, "b3": b3}


def reference(x, edge_index, W1, b1, g1, be1, W2, b2, g2, be2, W3, b3):
    h = gcn_conv(x, edge_index, W1, b1)
    h = batch_norm(h, g1, be1)
    h = leaky_relu(h)
    h = gcn_conv(h, edge_index, W2, b2)
    h = batch_norm(h, g2, be2)
    z = leaky_relu(h)
    out = gcn_conv(z, edge_index, W3, b3)
    return out

if __name__ == "__main__":
    import jax
    _d = setup_inputs()
    print(jax.jit(kernel)(*tuple(_d.values())))

</pallas_src>

<mosaic_0001>
#map = affine_map<(d0, d1) -> (0)>
#map1 = affine_map<(d0, d1) -> (0, 0)>
module attributes {stable_mosaic.version = 14 : i64} {
  func.func @deg_kernel(%arg0: i32, %arg1: i32, %arg2: memref<323584xi32, #tpu.memory_space<hbm>>, %arg3: memref<2x10240xf32, #tpu.memory_space<hbm>>, %arg4: memref<128xi32, #tpu.memory_space<vmem>>, %arg5: memref<128xf32, #tpu.memory_space<vmem>>, %arg6: memref<640xf32, #tpu.memory_space<vmem>>, %arg7: memref<10240xf32, #tpu.memory_space<vmem_shared>>) attributes {dimension_semantics = [#tpu.dimension_semantics<core_parallel>, #tpu.dimension_semantics<subcore_parallel>], iteration_bounds = array<i64: 2, 16>, scalar_prefetch = 0 : i64, scratch_operands = 4 : i64, tpu.core_type = #tpu.core_type<sc_vector_subcore>, window_params = [{transform_indices = #map}, {transform_indices = #map1}]} {
    %mul3A = arith.constant 16 : i32
    %mul3A_0 = arith.muli %arg0, %mul3A : i32
    %add3A = arith.addi %mul3A_0, %arg1 : i32
    %scan3A = arith.constant 0 : i32
    %scan3A_1 = arith.constant 0 : i32
    %scan3A_2 = arith.constant 8 : i32
    %scan3A_3 = arith.addi %scan3A_1, %scan3A_2 : i32
    %scan3A_4 = arith.constant 1 : i32
    %scan3A_5 = scf.for %scan3A_28 = %scan3A_1 to %scan3A_3 step %scan3A_4 iter_args(%scan3A_29 = %scan3A) -> (i32)  : i32 {
      %broadcast_in_dim3A = arith.constant 1.000000e+00 : f32
      %broadcast_in_dim3A_30 = vector.broadcast %broadcast_in_dim3A : f32 to vector<16xf32>
      %mul3A_31 = arith.constant 16 : i32
      %mul3A_32 = arith.muli %scan3A_28, %mul3A_31 : i32
      %swap3A = arith.index_cast %mul3A_32 : i32 to index
      %swap3A_33 = tpu.vector_load %arg5[%swap3A] {strides = array<i32>} : memref<128xf32, #tpu.memory_space<vmem>>, vector<16xf32>,
      %swap3A_34 = vector.shape_cast %swap3A_33 : vector<16xf32> to vector<16xf32>
      %swap3A_35 = vector.shape_cast %broadcast_in_dim3A_30 : vector<16xf32> to vector<16xf32>
      tpu.vector_store %arg5[%swap3A], %swap3A_35 {strides = array<i32>} : memref<128xf32, #tpu.memory_space<vmem>>, vector<16xf32>,
      %scan3A_36 = arith.constant 0 : i32
      scf.yield %scan3A_36 : i32
    }
    %scan3A_6 = arith.constant 8 : i32
    %scan3A_7 = arith.constant 0 : i32
    %scan3A_8 = arith.constant 0 : i32
    %scan3A_9 = arith.constant 40 : i32
    %scan3A_10 = arith.addi %scan3A_8, %scan3A_9 : i32
    %scan3A_11 = arith.constant 1 : i32
    %scan3A_12 = scf.for %scan3A_28 = %scan3A_8 to %scan3A_10 step %scan3A_11 iter_args(%scan3A_29 = %scan3A_7) -> (i32)  : i32 {
      %broadcast_in_dim3A = arith.constant 0.000000e+00 : f32
      %broadcast_in_dim3A_30 = vector.broadcast %broadcast_in_dim3A : f32 to vector<16xf32>
      %mul3A_31 = arith.constant 16 : i32
      %mul3A_32 = arith.muli %scan3A_28, %mul3A_31 : i32
      %swap3A = arith.index_cast %mul3A_32 : i32 to index
      %swap3A_33 = tpu.vector_load %arg6[%swap3A] {strides = array<i32>} : memref<640xf32, #tpu.memory_space<vmem>>, vector<16xf32>,
      %swap3A_34 = vector.shape_cast %swap3A_33 : vector<16xf32> to vector<16xf32>
      %swap3A_35 = vector.shape_cast %broadcast_in_dim3A_30 : vector<16xf32> to vector<16xf32>
      tpu.vector_store %arg6[%swap3A], %swap3A_35 {strides = array<i32>} : memref<640xf32, #tpu.memory_space<vmem>>, vector<16xf32>,
      %scan3A_36 = arith.constant 0 : i32
      scf.yield %scan3A_36 : i32
    }
    %scan3A_13 = arith.constant 40 : i32
    %mul3A_14 = arith.constant 640 : i32
    %mul3A_15 = arith.muli %arg1, %mul3A_14 : i32
    "tpu.region"() ({
      %run_scoped3A = tpu.sem_alloc : memref<!tpu.dma_semaphore, #tpu.memory_space<semaphore_mem>>
      %dma_start3A = tpu.memref_slice %arg7[%mul3A_15] : memref<10240xf32, #tpu.memory_space<vmem_shared>> -> memref<640xf32, #tpu.memory_space<vmem_shared>>
      %dma_start3A_28 = tpu.memref_slice %arg7[%mul3A_15] : memref<10240xf32, #tpu.memory_space<vmem_shared>> -> memref<640xf32, #tpu.memory_space<vmem_shared>>
      tpu.enqueue_dma source(%arg6 : memref<640xf32, #tpu.memory_space<vmem>>) target(%dma_start3A_28 : memref<640xf32, #tpu.memory_space<vmem_shared>>) target_semaphore(%run_scoped3A : memref<!tpu.dma_semaphore, #tpu.memory_space<semaphore_mem>>)
      %dma_wait3A = tpu.memref_slice %arg7[%mul3A_15] : memref<10240xf32, #tpu.memory_space<vmem_shared>> -> memref<640xf32, #tpu.memory_space<vmem_shared>>
      %dma_wait3A_29 = tpu.memref_slice %arg7[%mul3A_15] : memref<10240xf32, #tpu.memory_space<vmem_shared>> -> memref<640xf32, #tpu.memory_space<vmem_shared>>
      tpu.wait_dma2 semaphore(%run_scoped3A : memref<!tpu.dma_semaphore, #tpu.memory_space<semaphore_mem>>) src(%arg6 : memref<640xf32, #tpu.memory_space<vmem>>) dst(%dma_wait3A_29 : memref<640xf32, #tpu.memory_space<vmem_shared>>)
      tpu.yield
    }) : () -> ()
    %barrier3A = arith.constant 0 : index
    tpu.barrier barrier_id(%barrier3A)
    %scan3A_16 = arith.constant 0 : i32
    %scan3A_17 = arith.constant 0 : i32
    %scan3A_18 = arith.constant 79 : i32
    %scan3A_19 = arith.addi %scan3A_17, %scan3A_18 : i32
    %scan3A_20 = arith.constant 1 : i32
    %scan3A_21 = scf.for %scan3A_28 = %scan3A_17 to %scan3A_19 step %scan3A_20 iter_args(%scan3A_29 = %scan3A_16) -> (i32)  : i32 {
      %mul3A_30 = arith.constant 10112 : i32
      %mul3A_31 = arith.muli %add3A, %mul3A_30 : i32
      %mul3A_32 = arith.constant 128 : i32
      %mul3A_33 = arith.muli %scan3A_28, %mul3A_32 : i32
      %add3A_34 = arith.addi %mul3A_31, %mul3A_33 : i32
      "tpu.region"() ({
        %run_scoped3A = tpu.sem_alloc : memref<!tpu.dma_semaphore, #tpu.memory_space<semaphore_mem>>
        %dma_start3A = tpu.memref_slice %arg2[%add3A_34] : memref<323584xi32, #tpu.memory_space<hbm>> -> memref<128xi32, #tpu.memory_space<hbm>>
        %dma_start3A_36 = tpu.memref_slice %arg2[%add3A_34] : memref<323584xi32, #tpu.memory_space<hbm>> -> memref<128xi32, #tpu.memory_space<hbm>>
        tpu.enqueue_dma source(%dma_start3A_36 : memref<128xi32, #tpu.memory_space<hbm>>) target(%arg4 : memref<128xi32, #tpu.memory_space<vmem>>) target_semaphore(%run_scoped3A : memref<!tpu.dma_semaphore, #tpu.memory_space<semaphore_mem>>)
        %dma_wait3A = tpu.memref_slice %arg2[%add3A_34] : memref<323584xi32, #tpu.memory_space<hbm>> -> memref<128xi32, #tpu.memory_space<hbm>>
        %dma_wait3A_37 = tpu.memref_slice %arg2[%add3A_34] : memref<323584xi32, #tpu.memory_space<hbm>> -> memref<128xi32, #tpu.memory_space<hbm>>
        tpu.wait_dma2 semaphore(%run_scoped3A : memref<!tpu.dma_semaphore, #tpu.memory_space<semaphore_mem>>) src(%dma_wait3A_37 : memref<128xi32, #tpu.memory_space<hbm>>) dst(%arg4 : memref<128xi32, #tpu.memory_space<vmem>>)
        tpu.yield
      }) : () -> ()
      "tpu.region"() ({
        %run_scoped3A = tpu.sem_alloc : memref<!tpu.dma_semaphore, #tpu.memory_space<semaphore_mem>>
        %dma_start3A = arith.constant 0 : i32
        %dma_start3A_36 = tpu.memref_slice %arg7[%dma_start3A] : memref<10240xf32, #tpu.memory_space<vmem_shared>> -> memref<10240xf32, #tpu.memory_space<vmem_shared>>
        tpu.enqueue_indirect_dma source(%arg5 : memref<128xf32, #tpu.memory_space<vmem>>) target(%dma_start3A_36 : memref<10240xf32, #tpu.memory_space<vmem_shared>>) offsets(%arg4 : memref<128xi32, #tpu.memory_space<vmem>>) semaphore(%run_scoped3A : memref<!tpu.dma_semaphore, #tpu.memory_space<semaphore_mem>>) {add = true}
        %dma_wait3A = arith.constant 0 : i32
        %dma_wait3A_37 = tpu.memref_slice %arg7[%dma_wait3A] : memref<10240xf32, #tpu.memory_space<vmem_shared>> -> memref<10240xf32, #tpu.memory_space<vmem_shared>>
        tpu.wait_indirect_dma semaphore(%run_scoped3A : memref<!tpu.dma_semaphore, #tpu.memory_space<semaphore_mem>>) src(%arg5 : memref<128xf32, #tpu.memory_space<vmem>>) dst(%dma_wait3A_37 : memref<10240xf32, #tpu.memory_space<vmem_shared>>)
        tpu.yield
      }) : () -> ()
      %scan3A_35 = arith.constant 0 : i32
      scf.yield %scan3A_35 : i32
    }
    %scan3A_22 = arith.constant 79 : i32
    %barrier3A_23 = arith.constant 0 : index
    tpu.barrier barrier_id(%barrier3A_23)
    %mul3A_24 = arith.constant 640 : i32
    %mul3A_25 = arith.muli %arg1, %mul3A_24 : i32
    %mul3A_26 = arith.constant 640 : i32
    %mul3A_27 = arith.muli %arg1, %mul3A_26 : i32
    "tpu.region"() ({
      %run_scoped3A = tpu.sem_alloc : memref<!tpu.dma_semaphore, #tpu.memory_space<semaphore_mem>>
      %dma_start3A = tpu.memref_slice %arg3[%arg0, %mul3A_27] : memref<2x10240xf32, #tpu.memory_space<hbm>> -> memref<1x640xf32, #tpu.memory_space<hbm>>
      %dma_start3A_28 = tpu.memref_squeeze %dma_start3A : memref<1x640xf32, #tpu.memory_space<hbm>> -> memref<640xf32, #tpu.memory_space<hbm>>
      %dma_start3A_29 = tpu.memref_slice %arg7[%mul3A_25] : memref<10240xf32, #tpu.memory_space<vmem_shared>> -> memref<640xf32, #tpu.memory_space<vmem_shared>>
      tpu.enqueue_dma source(%dma_start3A_29 : memref<640xf32, #tpu.memory_space<vmem_shared>>) target(%dma_start3A_28 : memref<640xf32, #tpu.memory_space<hbm>>) target_semaphore(%run_scoped3A : memref<!tpu.dma_semaphore, #tpu.memory_space<semaphore_mem>>)
      %dma_wait3A = tpu.memref_slice %arg3[%arg0, %mul3A_27] : memref<2x10240xf32, #tpu.memory_space<hbm>> -> memref<1x640xf32, #tpu.memory_space<hbm>>
      %dma_wait3A_30 = tpu.memref_squeeze %dma_wait3A : memref<1x640xf32, #tpu.memory_space<hbm>> -> memref<640xf32, #tpu.memory_space<hbm>>
      %dma_wait3A_31 = tpu.memref_slice %arg7[%mul3A_25] : memref<10240xf32, #tpu.memory_space<vmem_shared>> -> memref<640xf32, #tpu.memory_space<vmem_shared>>
      tpu.wait_dma2 semaphore(%run_scoped3A : memref<!tpu.dma_semaphore, #tpu.memory_space<semaphore_mem>>) src(%dma_wait3A_31 : memref<640xf32, #tpu.memory_space<vmem_shared>>) dst(%dma_wait3A_30 : memref<640xf32, #tpu.memory_space<hbm>>)
      tpu.yield
    }) : () -> ()
    return
  }
}

#map = affine_map<(d0, d1) -> (0, 0)>
#map1 = affine_map<(d0, d1) -> (0)>
#map2 = affine_map<(d0, d1) -> (0, 0, 0)>
module attributes {stable_mosaic.version = 14 : i64} {
  func.func @agg_kernel(%arg0: i32, %arg1: i32, %arg2: memref<10240x128xf32, #tpu.memory_space<hbm>>, %arg3: memref<323584xi32, #tpu.memory_space<hbm>>, %arg4: memref<323584xi32, #tpu.memory_space<hbm>>, %arg5: memref<2x10240x128xf32, #tpu.memory_space<hbm>>, %arg6: memref<128xi32, #tpu.memory_space<vmem>>, %arg7: memref<128xi32, #tpu.memory_space<vmem>>, %arg8: memref<128x128xf32, #tpu.memory_space<vmem>>, %arg9: memref<16x128xf32, #tpu.memory_space<vmem>>, %arg10: memref<10240x128xf32, #tpu.memory_space<vmem_shared>>, %arg11: memref<!tpu.dma_semaphore, #tpu.memory_space<semaphore_mem>>) attributes {dimension_semantics = [#tpu.dimension_semantics<core_parallel>, #tpu.dimension_semantics<subcore_parallel>], iteration_bounds = array<i64: 2, 16>, scalar_prefetch = 0 : i64, scratch_operands = 6 : i64, tpu.core_type = #tpu.core_type<sc_vector_subcore>, window_params = [{transform_indices = #map}, {transform_indices = #map1}, {transform_indices = #map1}, {transform_indices = #map2}]} {
    %mul3A = arith.constant 16 : i32
    %mul3A_0 = arith.muli %arg0, %mul3A : i32
    %add3A = arith.addi %mul3A_0, %arg1 : i32
    %scan3A = arith.constant 0 : i32
    %scan3A_1 = arith.constant 0 : i32
    %scan3A_2 = arith.constant 128 : i32
    %scan3A_3 = arith.addi %scan3A_1, %scan3A_2 : i32
    %scan3A_4 = arith.constant 1 : i32
    %scan3A_5 = scf.for %scan3A_26 = %scan3A_1 to %scan3A_3 step %scan3A_4 iter_args(%scan3A_27 = %scan3A) -> (i32)  : i32 {
      %jit3A = arith.constant 8 : i32
      %div3A = arith.divsi %scan3A_26, %jit3A : i32
      %sign3A = arith.constant 0 : i32
      %sign3A_28 = arith.cmpi sgt, %scan3A_26, %sign3A : i32
      %sign3A_29 = arith.extui %sign3A_28 : i1 to i32
      %sign3A_30 = arith.constant 0 : i32
      %sign3A_31 = arith.cmpi slt, %scan3A_26, %sign3A_30 : i32
      %sign3A_32 = arith.extui %sign3A_31 : i1 to i32
      %sign3A_33 = arith.subi %sign3A_29, %sign3A_32 : i32
      %sign3A_34 = arith.constant 0 : i32
      %sign3A_35 = arith.cmpi sgt, %jit3A, %sign3A_34 : i32
      %sign3A_36 = arith.extui %sign3A_35 : i1 to i32
      %sign3A_37 = arith.constant 0 : i32
      %sign3A_38 = arith.cmpi slt, %jit3A, %sign3A_37 : i32
      %sign3A_39 = arith.extui %sign3A_38 : i1 to i32
      %sign3A_40 = arith.subi %sign3A_36, %sign3A_39 : i32
      %ne3A = arith.cmpi ne, %sign3A_33, %sign3A_40 : i32
      %rem3A = arith.remsi %scan3A_26, %jit3A : i32
      %ne3A_41 = arith.constant 0 : i32
      %ne3A_42 = arith.cmpi ne, %rem3A, %ne3A_41 : i32
      %and3A = arith.andi %ne3A, %ne3A_42 : i1
      %sub3A = arith.constant 1 : i32
      %sub3A_43 = arith.subi %div3A, %sub3A : i32
      %select_n3A = arith.select %and3A, %sub3A_43, %div3A : i32
      %jit3A_44 = arith.constant 8 : i32
      %eq3A = arith.constant 0 : i32
      %eq3A_45 = arith.cmpi eq, %jit3A_44, %eq3A : i32
      %jit3A_46 = arith.constant 1 : i32
      %select_n3A_47 = arith.select %eq3A_45, %jit3A_46, %jit3A_44 : i32
      %rem3A_48 = arith.remsi %scan3A_26, %select_n3A_47 : i32
      %ne3A_49 = arith.constant 0 : i32
      %ne3A_50 = arith.cmpi ne, %rem3A_48, %ne3A_49 : i32
      %lt3A = arith.constant 0 : i32
      %lt3A_51 = arith.cmpi slt, %rem3A_48, %lt3A : i32
      %lt3A_52 = arith.constant 0 : i32
      %lt3A_53 = arith.cmpi slt, %select_n3A_47, %lt3A_52 : i32
      %ne3A_54 = arith.xori %lt3A_51, %lt3A_53 : i1
      %and3A_55 = arith.andi %ne3A_54, %ne3A_50 : i1
      %add3A_56 = arith.addi %rem3A_48, %select_n3A_47 : i32
      %select_n3A_57 = arith.select %and3A_55, %add3A_56, %rem3A_48 : i32
      %mul3A_58 = arith.constant 16 : i32
      %mul3A_59 = arith.muli %select_n3A_57, %mul3A_58 : i32
      %broadcast_in_dim3A = arith.constant 0.000000e+00 : f32
      %broadcast_in_dim3A_60 = vector.broadcast %broadcast_in_dim3A : f32 to vector<16xf32>
      %swap3A = arith.index_cast %select_n3A : i32 to index
      %swap3A_61 = arith.index_cast %mul3A_59 : i32 to index
      %swap3A_62 = tpu.vector_load %arg9[%swap3A, %swap3A_61] {strides = array<i32>} : memref<16x128xf32, #tpu.memory_space<vmem>>, vector<1x16xf32>,
      %swap3A_63 = vector.shape_cast %swap3A_62 : vector<1x16xf32> to vector<16xf32>
      %swap3A_64 = vector.shape_cast %broadcast_in_dim3A_60 : vector<16xf32> to vector<1x16xf32>
      tpu.vector_store %arg9[%swap3A, %swap3A_61], %swap3A_64 {strides = array<i32>} : memref<16x128xf32, #tpu.memory_space<vmem>>, vector<1x16xf32>,
      %scan3A_65 = arith.constant 0 : i32
      scf.yield %scan3A_65 : i32
    }
    %scan3A_6 = arith.constant 128 : i32
    %scan3A_7 = arith.constant 0 : i32
    %scan3A_8 = arith.constant 0 : i32
    %scan3A_9 = arith.constant 40 : i32
    %scan3A_10 = arith.addi %scan3A_8, %scan3A_9 : i32
    %scan3A_11 = arith.constant 1 : i32
    %scan3A_12 = scf.for %scan3A_26 = %scan3A_8 to %scan3A_10 step %scan3A_11 iter_args(%scan3A_27 = %scan3A_7) -> (i32)  : i32 {
      %mul3A_28 = arith.constant 640 : i32
      %mul3A_29 = arith.muli %arg1, %mul3A_28 : i32
      %mul3A_30 = arith.constant 16 : i32
      %mul3A_31 = arith.muli %scan3A_26, %mul3A_30 : i32
      %add3A_32 = arith.addi %mul3A_29, %mul3A_31 : i32
      "tpu.region"() ({
        %run_scoped3A = tpu.sem_alloc : memref<!tpu.dma_semaphore, #tpu.memory_space<semaphore_mem>>
        %dma_start3A = arith.constant 0 : i32
        %dma_start3A_34 = tpu.memref_slice %arg10[%add3A_32, %dma_start3A] : memref<10240x128xf32, #tpu.memory_space<vmem_shared>> -> memref<16x128xf32, #tpu.memory_space<vmem_shared>>
        %dma_start3A_35 = arith.constant 0 : i32
        %dma_start3A_36 = tpu.memref_slice %arg10[%add3A_32, %dma_start3A_35] : memref<10240x128xf32, #tpu.memory_space<vmem_shared>> -> memref<16x128xf32, #tpu.memory_space<vmem_shared>>
        tpu.enqueue_dma source(%arg9 : memref<16x128xf32, #tpu.memory_space<vmem>>) target(%dma_start3A_36 : memref<16x128xf32, #tpu.memory_space<vmem_shared>>) target_semaphore(%run_scoped3A : memref<!tpu.dma_semaphore, #tpu.memory_space<semaphore_mem>>)
        %dma_wait3A = arith.constant 0 : i32
        %dma_wait3A_37 = tpu.memref_slice %arg10[%add3A_32, %dma_wait3A] : memref<10240x128xf32, #tpu.memory_space<vmem_shared>> -> memref<16x128xf32, #tpu.memory_space<vmem_shared>>
        %dma_wait3A_38 = arith.constant 0 : i32
        %dma_wait3A_39 = tpu.memref_slice %arg10[%add3A_32, %dma_wait3A_38] : memref<10240x128xf32, #tpu.memory_space<vmem_shared>> -> memref<16x128xf32, #tpu.memory_space<vmem_shared>>
        tpu.wait_dma2 semaphore(%run_scoped3A : memref<!tpu.dma_semaphore, #tpu.memory_space<semaphore_mem>>) src(%arg9 : memref<16x128xf32, #tpu.memory_space<vmem>>) dst(%dma_wait3A_39 : memref<16x128xf32, #tpu.memory_space<vmem_shared>>)
        tpu.yield
      }) : () -> ()
      %scan3A_33 = arith.constant 0 : i32
      scf.yield %scan3A_33 : i32
    }
    %scan3A_13 = arith.constant 40 : i32
    %barrier3A = arith.constant 0 : index
    tpu.barrier barrier_id(%barrier3A)
    %scan3A_14 = arith.constant 0 : i32
    %scan3A_15 = arith.constant 0 : i32
    %scan3A_16 = arith.constant 79 : i32
    %scan3A_17 = arith.addi %scan3A_15, %scan3A_16 : i32
    %scan3A_18 = arith.constant 1 : i32
    %scan3A_19 = scf.for %scan3A_26 = %scan3A_15 to %scan3A_17 step %scan3A_18 iter_args(%scan3A_27 = %scan3A_14) -> (i32)  : i32 {
      %mul3A_28 = arith.constant 10112 : i32
      %mul3A_29 = arith.muli %add3A, %mul3A_28 : i32
      %mul3A_30 = arith.constant 128 : i32
      %mul3A_31 = arith.muli %scan3A_26, %mul3A_30 : i32
      %add3A_32 = arith.addi %mul3A_29, %mul3A_31 : i32
      "tpu.region"() ({
        %run_scoped3A = tpu.sem_alloc : memref<!tpu.dma_semaphore, #tpu.memory_space<semaphore_mem>>
        %dma_start3A_38 = tpu.memref_slice %arg3[%add3A_32] : memref<323584xi32, #tpu.memory_space<hbm>> -> memref<128xi32, #tpu.memory_space<hbm>>
        %dma_start3A_39 = tpu.memref_slice %arg3[%add3A_32] : memref<323584xi32, #tpu.memory_space<hbm>> -> memref<128xi32, #tpu.memory_space<hbm>>
        tpu.enqueue_dma source(%dma_start3A_39 : memref<128xi32, #tpu.memory_space<hbm>>) target(%arg6 : memref<128xi32, #tpu.memory_space<vmem>>) target_semaphore(%run_scoped3A : memref<!tpu.dma_semaphore, #tpu.memory_space<semaphore_mem>>)
        %dma_wait3A_40 = tpu.memref_slice %arg3[%add3A_32] : memref<323584xi32, #tpu.memory_space<hbm>> -> memref<128xi32, #tpu.memory_space<hbm>>
        %dma_wait3A_41 = tpu.memref_slice %arg3[%add3A_32] : memref<323584xi32, #tpu.memory_space<hbm>> -> memref<128xi32, #tpu.memory_space<hbm>>
        tpu.wait_dma2 semaphore(%run_scoped3A : memref<!tpu.dma_semaphore, #tpu.memory_space<semaphore_mem>>) src(%dma_wait3A_41 : memref<128xi32, #tpu.memory_space<hbm>>) dst(%arg6 : memref<128xi32, #tpu.memory_space<vmem>>)
        tpu.yield
      }) : () -> ()
      "tpu.region"() ({
        %run_scoped3A = tpu.sem_alloc : memref<!tpu.dma_semaphore, #tpu.memory_space<semaphore_mem>>
        %dma_start3A_38 = tpu.memref_slice %arg4[%add3A_32] : memref<323584xi32, #tpu.memory_space<hbm>> -> memref<128xi32, #tpu.memory_space<hbm>>
        %dma_start3A_39 = tpu.memref_slice %arg4[%add3A_32] : memref<323584xi32, #tpu.memory_space<hbm>> -> memref<128xi32, #tpu.memory_space<hbm>>
        tpu.enqueue_dma source(%dma_start3A_39 : memref<128xi32, #tpu.memory_space<hbm>>) target(%arg7 : memref<128xi32, #tpu.memory_space<vmem>>) target_semaphore(%run_scoped3A : memref<!tpu.dma_semaphore, #tpu.memory_space<semaphore_mem>>)
        %dma_wait3A_40 = tpu.memref_slice %arg4[%add3A_32] : memref<323584xi32, #tpu.memory_space<hbm>> -> memref<128xi32, #tpu.memory_space<hbm>>
        %dma_wait3A_41 = tpu.memref_slice %arg4[%add3A_32] : memref<323584xi32, #tpu.memory_space<hbm>> -> memref<128xi32, #tpu.memory_space<hbm>>
        tpu.wait_dma2 semaphore(%run_scoped3A : memref<!tpu.dma_semaphore, #tpu.memory_space<semaphore_mem>>) src(%dma_wait3A_41 : memref<128xi32, #tpu.memory_space<hbm>>) dst(%arg7 : memref<128xi32, #tpu.memory_space<vmem>>)
        tpu.yield
      }) : () -> ()
      %dma_start3A = arith.constant 0 : i32
      %dma_start3A_33 = arith.constant 0 : i32
      %dma_start3A_34 = tpu.memref_slice %arg2[%dma_start3A, %dma_start3A_33] : memref<10240x128xf32, #tpu.memory_space<hbm>> -> memref<10240x128xf32, #tpu.memory_space<hbm>>
      tpu.enqueue_indirect_dma source(%dma_start3A_34 : memref<10240x128xf32, #tpu.memory_space<hbm>>) target(%arg8 : memref<128x128xf32, #tpu.memory_space<vmem>>) offsets(%arg6 : memref<128xi32, #tpu.memory_space<vmem>>) semaphore(%arg11 : memref<!tpu.dma_semaphore, #tpu.memory_space<semaphore_mem>>)
      %dma_wait3A = arith.constant 0 : i32
      %dma_wait3A_35 = arith.constant 0 : i32
      %dma_wait3A_36 = tpu.memref_slice %arg2[%dma_wait3A, %dma_wait3A_35] : memref<10240x128xf32, #tpu.memory_space<hbm>> -> memref<10240x128xf32, #tpu.memory_space<hbm>>
      tpu.wait_indirect_dma semaphore(%arg11 : memref<!tpu.dma_semaphore, #tpu.memory_space<semaphore_mem>>) src(%dma_wait3A_36 : memref<10240x128xf32, #tpu.memory_space<hbm>>) dst(%arg8 : memref<128x128xf32, #tpu.memory_space<vmem>>)
      "tpu.region"() ({
        %run_scoped3A = tpu.sem_alloc : memref<!tpu.dma_semaphore, #tpu.memory_space<semaphore_mem>>
        %dma_start3A_38 = arith.constant 0 : i32
        %dma_start3A_39 = arith.constant 0 : i32
        %dma_start3A_40 = tpu.memref_slice %arg10[%dma_start3A_38, %dma_start3A_39] : memref<10240x128xf32, #tpu.memory_space<vmem_shared>> -> memref<10240x128xf32, #tpu.memory_space<vmem_shared>>
        tpu.enqueue_indirect_dma source(%arg8 : memref<128x128xf32, #tpu.memory_space<vmem>>) target(%dma_start3A_40 : memref<10240x128xf32, #tpu.memory_space<vmem_shared>>) offsets(%arg7 : memref<128xi32, #tpu.memory_space<vmem>>) semaphore(%run_scoped3A : memref<!tpu.dma_semaphore, #tpu.memory_space<semaphore_mem>>) {add = true}
        %dma_wait3A_41 = arith.constant 0 : i32
        %dma_wait3A_42 = arith.constant 0 : i32
        %dma_wait3A_43 = tpu.memref_slice %arg10[%dma_wait3A_41, %dma_wait3A_42] : memref<10240x128xf32, #tpu.memory_space<vmem_shared>> -> memref<10240x128xf32, #tpu.memory_space<vmem_shared>>
        tpu.wait_indirect_dma semaphore(%run_scoped3A : memref<!tpu.dma_semaphore, #tpu.memory_space<semaphore_mem>>) src(%arg8 : memref<128x128xf32, #tpu.memory_space<vmem>>) dst(%dma_wait3A_43 : memref<10240x128xf32, #tpu.memory_space<vmem_shared>>)
        tpu.yield
      }) : () -> ()
      %scan3A_37 = arith.constant 0 : i32
      scf.yield %scan3A_37 : i32
    }
    %scan3A_20 = arith.constant 79 : i32
    %barrier3A_21 = arith.constant 0 : index
    tpu.barrier barrier_id(%barrier3A_21)
    %mul3A_22 = arith.constant 640 : i32
    %mul3A_23 = arith.muli %arg1, %mul3A_22 : i32
    %mul3A_24 = arith.constant 640 : i32
    %mul3A_25 = arith.muli %arg1, %mul3A_24 : i32
    "tpu.region"() ({
      %run_scoped3A = tpu.sem_alloc : memref<!tpu.dma_semaphore, #tpu.memory_space<semaphore_mem>>
      %dma_start3A = arith.constant 0 : i32
      %dma_start3A_26 = tpu.memref_slice %arg5[%arg0, %mul3A_25, %dma_start3A] : memref<2x10240x128xf32, #tpu.memory_space<hbm>> -> memref<1x640x128xf32, #tpu.memory_space<hbm>>
      %dma_start3A_27 = tpu.memref_squeeze %dma_start3A_26 : memref<1x640x128xf32, #tpu.memory_space<hbm>> -> memref<640x128xf32, #tpu.memory_space<hbm>>
      %dma_start3A_28 = arith.constant 0 : i32
      %dma_start3A_29 = tpu.memref_slice %arg10[%mul3A_23, %dma_start3A_28] : memref<10240x128xf32, #tpu.memory_space<vmem_shared>> -> memref<640x128xf32, #tpu.memory_space<vmem_shared>>
      tpu.enqueue_dma source(%dma_start3A_29 : memref<640x128xf32, #tpu.memory_space<vmem_shared>>) target(%dma_start3A_27 : memref<640x128xf32, #tpu.memory_space<hbm>>) target_semaphore(%run_scoped3A : memref<!tpu.dma_semaphore, #tpu.memory_space<semaphore_mem>>)
      %dma_wait3A = arith.constant 0 : i32
      %dma_wait3A_30 = tpu.memref_slice %arg5[%arg0, %mul3A_25, %dma_wait3A] : memref<2x10240x128xf32, #tpu.memory_space<hbm>> -> memref<1x640x128xf32, #tpu.memory_space<hbm>>
      %dma_wait3A_31 = tpu.memref_squeeze %dma_wait3A_30 : memref<1x640x128xf32, #tpu.memory_space<hbm>> -> memref<640x128xf32, #tpu.memory_space<hbm>>
      %dma_wait3A_32 = arith.constant 0 : i32
      %dma_wait3A_33 = tpu.memref_slice %arg10[%mul3A_23, %dma_wait3A_32] : memref<10240x128xf32, #tpu.memory_space<vmem_shared>> -> memref<640x128xf32, #tpu.memory_space<vmem_shared>>
      tpu.wait_dma2 semaphore(%run_scoped3A : memref<!tpu.dma_semaphore, #tpu.memory_space<semaphore_mem>>) src(%dma_wait3A_33 : memref<640x128xf32, #tpu.memory_space<vmem_shared>>) dst(%dma_wait3A_31 : memref<640x128xf32, #tpu.memory_space<hbm>>)
      tpu.yield
    }) : () -> ()
    return
  }
}

#map = affine_map<(d0, d1) -> (0, 0)>
#map1 = affine_map<(d0, d1) -> (0)>
#map2 = affine_map<(d0, d1) -> (0, 0, 0)>
module attributes {stable_mosaic.version = 14 : i64} {
  func.func @agg_kernel(%arg0: i32, %arg1: i32, %arg2: memref<10240x128xf32, #tpu.memory_space<hbm>>, %arg3: memref<323584xi32, #tpu.memory_space<hbm>>, %arg4: memref<323584xi32, #tpu.memory_space<hbm>>, %arg5: memref<2x10240x128xf32, #tpu.memory_space<hbm>>, %arg6: memref<128xi32, #tpu.memory_space<vmem>>, %arg7: memref<128xi32, #tpu.memory_space<vmem>>, %arg8: memref<128x128xf32, #tpu.memory_space<vmem>>, %arg9: memref<16x128xf32, #tpu.memory_space<vmem>>, %arg10: memref<10240x128xf32, #tpu.memory_space<vmem_shared>>, %arg11: memref<!tpu.dma_semaphore, #tpu.memory_space<semaphore_mem>>) attributes {dimension_semantics = [#tpu.dimension_semantics<core_parallel>, #tpu.dimension_semantics<subcore_parallel>], iteration_bounds = array<i64: 2, 16>, scalar_prefetch = 0 : i64, scratch_operands = 6 : i64, tpu.core_type = #tpu.core_type<sc_vector_subcore>, window_params = [{transform_indices = #map}, {transform_indices = #map1}, {transform_indices = #map1}, {transform_indices = #map2}]} {
    %mul3A = arith.constant 16 : i32
    %mul3A_0 = arith.muli %arg0, %mul3A : i32
    %add3A = arith.addi %mul3A_0, %arg1 : i32
    %scan3A = arith.constant 0 : i32
    %scan3A_1 = arith.constant 0 : i32
    %scan3A_2 = arith.constant 128 : i32
    %scan3A_3 = arith.addi %scan3A_1, %scan3A_2 : i32
    %scan3A_4 = arith.constant 1 : i32
    %scan3A_5 = scf.for %scan3A_26 = %scan3A_1 to %scan3A_3 step %scan3A_4 iter_args(%scan3A_27 = %scan3A) -> (i32)  : i32 {
      %jit3A = arith.constant 8 : i32
      %div3A = arith.divsi %scan3A_26, %jit3A : i32
      %sign3A = arith.constant 0 : i32
      %sign3A_28 = arith.cmpi sgt, %scan3A_26, %sign3A : i32
      %sign3A_29 = arith.extui %sign3A_28 : i1 to i32
      %sign3A_30 = arith.constant 0 : i32
      %sign3A_31 = arith.cmpi slt, %scan3A_26, %sign3A_30 : i32
      %sign3A_32 = arith.extui %sign3A_31 : i1 to i32
      %sign3A_33 = arith.subi %sign3A_29, %sign3A_32 : i32
      %sign3A_34 = arith.constant 0 : i32
      %sign3A_35 = arith.cmpi sgt, %jit3A, %sign3A_34 : i32
      %sign3A_36 = arith.extui %sign3A_35 : i1 to i32
      %sign3A_37 = arith.constant 0 : i32
      %sign3A_38 = arith.cmpi slt, %jit3A, %sign3A_37 : i32
      %sign3A_39 = arith.extui %sign3A_38 : i1 to i32
      %sign3A_40 = arith.subi %sign3A_36, %sign3A_39 : i32
      %ne3A = arith.cmpi ne, %sign3A_33, %sign3A_40 : i32
      %rem3A = arith.remsi %scan3A_26, %jit3A : i32
      %ne3A_41 = arith.constant 0 : i32
      %ne3A_42 = arith.cmpi ne, %rem3A, %ne3A_41 : i32
      %and3A = arith.andi %ne3A, %ne3A_42 : i1
      %sub3A = arith.constant 1 : i32
      %sub3A_43 = arith.subi %div3A, %sub3A : i32
      %select_n3A = arith.select %and3A, %sub3A_43, %div3A : i32
      %jit3A_44 = arith.constant 8 : i32
      %eq3A = arith.constant 0 : i32
      %eq3A_45 = arith.cmpi eq, %jit3A_44, %eq3A : i32
      %jit3A_46 = arith.constant 1 : i32
      %select_n3A_47 = arith.select %eq3A_45, %jit3A_46, %jit3A_44 : i32
      %rem3A_48 = arith.remsi %scan3A_26, %select_n3A_47 : i32
      %ne3A_49 = arith.constant 0 : i32
      %ne3A_50 = arith.cmpi ne, %rem3A_48, %ne3A_49 : i32
      %lt3A = arith.constant 0 : i32
      %lt3A_51 = arith.cmpi slt, %rem3A_48, %lt3A : i32
      %lt3A_52 = arith.constant 0 : i32
      %lt3A_53 = arith.cmpi slt, %select_n3A_47, %lt3A_52 : i32
      %ne3A_54 = arith.xori %lt3A_51, %lt3A_53 : i1
      %and3A_55 = arith.andi %ne3A_54, %ne3A_50 : i1
      %add3A_56 = arith.addi %rem3A_48, %select_n3A_47 : i32
      %select_n3A_57 = arith.select %and3A_55, %add3A_56, %rem3A_48 : i32
      %mul3A_58 = arith.constant 16 : i32
      %mul3A_59 = arith.muli %select_n3A_57, %mul3A_58 : i32
      %broadcast_in_dim3A = arith.constant 0.000000e+00 : f32
      %broadcast_in_dim3A_60 = vector.broadcast %broadcast_in_dim3A : f32 to vector<16xf32>
      %swap3A = arith.index_cast %select_n3A : i32 to index
      %swap3A_61 = arith.index_cast %mul3A_59 : i32 to index
      %swap3A_62 = tpu.vector_load %arg9[%swap3A, %swap3A_61] {strides = array<i32>} : memref<16x128xf32, #tpu.memory_space<vmem>>, vector<1x16xf32>,
      %swap3A_63 = vector.shape_cast %swap3A_62 : vector<1x16xf32> to vector<16xf32>
      %swap3A_64 = vector.shape_cast %broadcast_in_dim3A_60 : vector<16xf32> to vector<1x16xf32>
      tpu.vector_store %arg9[%swap3A, %swap3A_61], %swap3A_64 {strides = array<i32>} : memref<16x128xf32, #tpu.memory_space<vmem>>, vector<1x16xf32>,
      %scan3A_65 = arith.constant 0 : i32
      scf.yield %scan3A_65 : i32
    }
    %scan3A_6 = arith.constant 128 : i32
    %scan3A_7 = arith.constant 0 : i32
    %scan3A_8 = arith.constant 0 : i32
    %scan3A_9 = arith.constant 40 : i32
    %scan3A_10 = arith.addi %scan3A_8, %scan3A_9 : i32
    %scan3A_11 = arith.constant 1 : i32
    %scan3A_12 = scf.for %scan3A_26 = %scan3A_8 to %scan3A_10 step %scan3A_11 iter_args(%scan3A_27 = %scan3A_7) -> (i32)  : i32 {
      %mul3A_28 = arith.constant 640 : i32
      %mul3A_29 = arith.muli %arg1, %mul3A_28 : i32
      %mul3A_30 = arith.constant 16 : i32
      %mul3A_31 = arith.muli %scan3A_26, %mul3A_30 : i32
      %add3A_32 = arith.addi %mul3A_29, %mul3A_31 : i32
      "tpu.region"() ({
        %run_scoped3A = tpu.sem_alloc : memref<!tpu.dma_semaphore, #tpu.memory_space<semaphore_mem>>
        %dma_start3A = arith.constant 0 : i32
        %dma_start3A_34 = tpu.memref_slice %arg10[%add3A_32, %dma_start3A] : memref<10240x128xf32, #tpu.memory_space<vmem_shared>> -> memref<16x128xf32, #tpu.memory_space<vmem_shared>>
        %dma_start3A_35 = arith.constant 0 : i32
        %dma_start3A_36 = tpu.memref_slice %arg10[%add3A_32, %dma_start3A_35] : memref<10240x128xf32, #tpu.memory_space<vmem_shared>> -> memref<16x128xf32, #tpu.memory_space<vmem_shared>>
        tpu.enqueue_dma source(%arg9 : memref<16x128xf32, #tpu.memory_space<vmem>>) target(%dma_start3A_36 : memref<16x128xf32, #tpu.memory_space<vmem_shared>>) target_semaphore(%run_scoped3A : memref<!tpu.dma_semaphore, #tpu.memory_space<semaphore_mem>>)
        %dma_wait3A = arith.constant 0 : i32
        %dma_wait3A_37 = tpu.memref_slice %arg10[%add3A_32, %dma_wait3A] : memref<10240x128xf32, #tpu.memory_space<vmem_shared>> -> memref<16x128xf32, #tpu.memory_space<vmem_shared>>
        %dma_wait3A_38 = arith.constant 0 : i32
        %dma_wait3A_39 = tpu.memref_slice %arg10[%add3A_32, %dma_wait3A_38] : memref<10240x128xf32, #tpu.memory_space<vmem_shared>> -> memref<16x128xf32, #tpu.memory_space<vmem_shared>>
        tpu.wait_dma2 semaphore(%run_scoped3A : memref<!tpu.dma_semaphore, #tpu.memory_space<semaphore_mem>>) src(%arg9 : memref<16x128xf32, #tpu.memory_space<vmem>>) dst(%dma_wait3A_39 : memref<16x128xf32, #tpu.memory_space<vmem_shared>>)
        tpu.yield
      }) : () -> ()
      %scan3A_33 = arith.constant 0 : i32
      scf.yield %scan3A_33 : i32
    }
    %scan3A_13 = arith.constant 40 : i32
    %barrier3A = arith.constant 0 : index
    tpu.barrier barrier_id(%barrier3A)
    %scan3A_14 = arith.constant 0 : i32
    %scan3A_15 = arith.constant 0 : i32
    %scan3A_16 = arith.constant 79 : i32
    %scan3A_17 = arith.addi %scan3A_15, %scan3A_16 : i32
    %scan3A_18 = arith.constant 1 : i32
    %scan3A_19 = scf.for %scan3A_26 = %scan3A_15 to %scan3A_17 step %scan3A_18 iter_args(%scan3A_27 = %scan3A_14) -> (i32)  : i32 {
      %mul3A_28 = arith.constant 10112 : i32
      %mul3A_29 = arith.muli %add3A, %mul3A_28 : i32
      %mul3A_30 = arith.constant 128 : i32
      %mul3A_31 = arith.muli %scan3A_26, %mul3A_30 : i32
      %add3A_32 = arith.addi %mul3A_29, %mul3A_31 : i32
      "tpu.region"() ({
        %run_scoped3A = tpu.sem_alloc : memref<!tpu.dma_semaphore, #tpu.memory_space<semaphore_mem>>
        %dma_start3A_38 = tpu.memref_slice %arg3[%add3A_32] : memref<323584xi32, #tpu.memory_space<hbm>> -> memref<128xi32, #tpu.memory_space<hbm>>
        %dma_start3A_39 = tpu.memref_slice %arg3[%add3A_32] : memref<323584xi32, #tpu.memory_space<hbm>> -> memref<128xi32, #tpu.memory_space<hbm>>
        tpu.enqueue_dma source(%dma_start3A_39 : memref<128xi32, #tpu.memory_space<hbm>>) target(%arg6 : memref<128xi32, #tpu.memory_space<vmem>>) target_semaphore(%run_scoped3A : memref<!tpu.dma_semaphore, #tpu.memory_space<semaphore_mem>>)
        %dma_wait3A_40 = tpu.memref_slice %arg3[%add3A_32] : memref<323584xi32, #tpu.memory_space<hbm>> -> memref<128xi32, #tpu.memory_space<hbm>>
        %dma_wait3A_41 = tpu.memref_slice %arg3[%add3A_32] : memref<323584xi32, #tpu.memory_space<hbm>> -> memref<128xi32, #tpu.memory_space<hbm>>
        tpu.wait_dma2 semaphore(%run_scoped3A : memref<!tpu.dma_semaphore, #tpu.memory_space<semaphore_mem>>) src(%dma_wait3A_41 : memref<128xi32, #tpu.memory_space<hbm>>) dst(%arg6 : memref<128xi32, #tpu.memory_space<vmem>>)
        tpu.yield
      }) : () -> ()
      "tpu.region"() ({
        %run_scoped3A = tpu.sem_alloc : memref<!tpu.dma_semaphore, #tpu.memory_space<semaphore_mem>>
        %dma_start3A_38 = tpu.memref_slice %arg4[%add3A_32] : memref<323584xi32, #tpu.memory_space<hbm>> -> memref<128xi32, #tpu.memory_space<hbm>>
        %dma_start3A_39 = tpu.memref_slice %arg4[%add3A_32] : memref<323584xi32, #tpu.memory_space<hbm>> -> memref<128xi32, #tpu.memory_space<hbm>>
        tpu.enqueue_dma source(%dma_start3A_39 : memref<128xi32, #tpu.memory_space<hbm>>) target(%arg7 : memref<128xi32, #tpu.memory_space<vmem>>) target_semaphore(%run_scoped3A : memref<!tpu.dma_semaphore, #tpu.memory_space<semaphore_mem>>)
        %dma_wait3A_40 = tpu.memref_slice %arg4[%add3A_32] : memref<323584xi32, #tpu.memory_space<hbm>> -> memref<128xi32, #tpu.memory_space<hbm>>
        %dma_wait3A_41 = tpu.memref_slice %arg4[%add3A_32] : memref<323584xi32, #tpu.memory_space<hbm>> -> memref<128xi32, #tpu.memory_space<hbm>>
        tpu.wait_dma2 semaphore(%run_scoped3A : memref<!tpu.dma_semaphore, #tpu.memory_space<semaphore_mem>>) src(%dma_wait3A_41 : memref<128xi32, #tpu.memory_space<hbm>>) dst(%arg7 : memref<128xi32, #tpu.memory_space<vmem>>)
        tpu.yield
      }) : () -> ()
      %dma_start3A = arith.constant 0 : i32
      %dma_start3A_33 = arith.constant 0 : i32
      %dma_start3A_34 = tpu.memref_slice %arg2[%dma_start3A, %dma_start3A_33] : memref<10240x128xf32, #tpu.memory_space<hbm>> -> memref<10240x128xf32, #tpu.memory_space<hbm>>
      tpu.enqueue_indirect_dma source(%dma_start3A_34 : memref<10240x128xf32, #tpu.memory_space<hbm>>) target(%arg8 : memref<128x128xf32, #tpu.memory_space<vmem>>) offsets(%arg6 : memref<128xi32, #tpu.memory_space<vmem>>) semaphore(%arg11 : memref<!tpu.dma_semaphore, #tpu.memory_space<semaphore_mem>>)
      %dma_wait3A = arith.constant 0 : i32
      %dma_wait3A_35 = arith.constant 0 : i32
      %dma_wait3A_36 = tpu.memref_slice %arg2[%dma_wait3A, %dma_wait3A_35] : memref<10240x128xf32, #tpu.memory_space<hbm>> -> memref<10240x128xf32, #tpu.memory_space<hbm>>
      tpu.wait_indirect_dma semaphore(%arg11 : memref<!tpu.dma_semaphore, #tpu.memory_space<semaphore_mem>>) src(%dma_wait3A_36 : memref<10240x128xf32, #tpu.memory_space<hbm>>) dst(%arg8 : memref<128x128xf32, #tpu.memory_space<vmem>>)
      "tpu.region"() ({
        %run_scoped3A = tpu.sem_alloc : memref<!tpu.dma_semaphore, #tpu.memory_space<semaphore_mem>>
        %dma_start3A_38 = arith.constant 0 : i32
        %dma_start3A_39 = arith.constant 0 : i32
        %dma_start3A_40 = tpu.memref_slice %arg10[%dma_start3A_38, %dma_start3A_39] : memref<10240x128xf32, #tpu.memory_space<vmem_shared>> -> memref<10240x128xf32, #tpu.memory_space<vmem_shared>>
        tpu.enqueue_indirect_dma source(%arg8 : memref<128x128xf32, #tpu.memory_space<vmem>>) target(%dma_start3A_40 : memref<10240x128xf32, #tpu.memory_space<vmem_shared>>) offsets(%arg7 : memref<128xi32, #tpu.memory_space<vmem>>) semaphore(%run_scoped3A : memref<!tpu.dma_semaphore, #tpu.memory_space<semaphore_mem>>) {add = true}
        %dma_wait3A_41 = arith.constant 0 : i32
        %dma_wait3A_42 = arith.constant 0 : i32
        %dma_wait3A_43 = tpu.memref_slice %arg10[%dma_wait3A_41, %dma_wait3A_42] : memref<10240x128xf32, #tpu.memory_space<vmem_shared>> -> memref<10240x128xf32, #tpu.memory_space<vmem_shared>>
        tpu.wait_indirect_dma semaphore(%run_scoped3A : memref<!tpu.dma_semaphore, #tpu.memory_space<semaphore_mem>>) src(%arg8 : memref<128x128xf32, #tpu.memory_space<vmem>>) dst(%dma_wait3A_43 : memref<10240x128xf32, #tpu.memory_space<vmem_shared>>)
        tpu.yield
      }) : () -> ()
      %scan3A_37 = arith.constant 0 : i32
      scf.yield %scan3A_37 : i32
    }
    %scan3A_20 = arith.constant 79 : i32
    %barrier3A_21 = arith.constant 0 : index
    tpu.barrier barrier_id(%barrier3A_21)
    %mul3A_22 = arith.constant 640 : i32
    %mul3A_23 = arith.muli %arg1, %mul3A_22 : i32
    %mul3A_24 = arith.constant 640 : i32
    %mul3A_25 = arith.muli %arg1, %mul3A_24 : i32
    "tpu.region"() ({
      %run_scoped3A = tpu.sem_alloc : memref<!tpu.dma_semaphore, #tpu.memory_space<semaphore_mem>>
      %dma_start3A = arith.constant 0 : i32
      %dma_start3A_26 = tpu.memref_slice %arg5[%arg0, %mul3A_25, %dma_start3A] : memref<2x10240x128xf32, #tpu.memory_space<hbm>> -> memref<1x640x128xf32, #tpu.memory_space<hbm>>
      %dma_start3A_27 = tpu.memref_squeeze %dma_start3A_26 : memref<1x640x128xf32, #tpu.memory_space<hbm>> -> memref<640x128xf32, #tpu.memory_space<hbm>>
      %dma_start3A_28 = arith.constant 0 : i32
      %dma_start3A_29 = tpu.memref_slice %arg10[%mul3A_23, %dma_start3A_28] : memref<10240x128xf32, #tpu.memory_space<vmem_shared>> -> memref<640x128xf32, #tpu.memory_space<vmem_shared>>
      tpu.enqueue_dma source(%dma_start3A_29 : memref<640x128xf32, #tpu.memory_space<vmem_shared>>) target(%dma_start3A_27 : memref<640x128xf32, #tpu.memory_space<hbm>>) target_semaphore(%run_scoped3A : memref<!tpu.dma_semaphore, #tpu.memory_space<semaphore_mem>>)
      %dma_wait3A = arith.constant 0 : i32
      %dma_wait3A_30 = tpu.memref_slice %arg5[%arg0, %mul3A_25, %dma_wait3A] : memref<2x10240x128xf32, #tpu.memory_space<hbm>> -> memref<1x640x128xf32, #tpu.memory_space<hbm>>
      %dma_wait3A_31 = tpu.memref_squeeze %dma_wait3A_30 : memref<1x640x128xf32, #tpu.memory_space<hbm>> -> memref<640x128xf32, #tpu.memory_space<hbm>>
      %dma_wait3A_32 = arith.constant 0 : i32
      %dma_wait3A_33 = tpu.memref_slice %arg10[%mul3A_23, %dma_wait3A_32] : memref<10240x128xf32, #tpu.memory_space<vmem_shared>> -> memref<640x128xf32, #tpu.memory_space<vmem_shared>>
      tpu.wait_dma2 semaphore(%run_scoped3A : memref<!tpu.dma_semaphore, #tpu.memory_space<semaphore_mem>>) src(%dma_wait3A_33 : memref<640x128xf32, #tpu.memory_space<vmem_shared>>) dst(%dma_wait3A_31 : memref<640x128xf32, #tpu.memory_space<hbm>>)
      tpu.yield
    }) : () -> ()
    return
  }
}

#map = affine_map<(d0, d1) -> (0, 0)>
#map1 = affine_map<(d0, d1) -> (0)>
#map2 = affine_map<(d0, d1) -> (0, 0, 0)>
module attributes {stable_mosaic.version = 14 : i64} {
  func.func @agg_kernel(%arg0: i32, %arg1: i32, %arg2: memref<10240x128xf32, #tpu.memory_space<hbm>>, %arg3: memref<323584xi32, #tpu.memory_space<hbm>>, %arg4: memref<323584xi32, #tpu.memory_space<hbm>>, %arg5: memref<2x10240x128xf32, #tpu.memory_space<hbm>>, %arg6: memref<128xi32, #tpu.memory_space<vmem>>, %arg7: memref<128xi32, #tpu.memory_space<vmem>>, %arg8: memref<128x128xf32, #tpu.memory_space<vmem>>, %arg9: memref<16x128xf32, #tpu.memory_space<vmem>>, %arg10: memref<10240x128xf32, #tpu.memory_space<vmem_shared>>, %arg11: memref<!tpu.dma_semaphore, #tpu.memory_space<semaphore_mem>>) attributes {dimension_semantics = [#tpu.dimension_semantics<core_parallel>, #tpu.dimension_semantics<subcore_parallel>], iteration_bounds = array<i64: 2, 16>, scalar_prefetch = 0 : i64, scratch_operands = 6 : i64, tpu.core_type = #tpu.core_type<sc_vector_subcore>, window_params = [{transform_indices = #map}, {transform_indices = #map1}, {transform_indices = #map1}, {transform_indices = #map2}]} {
    %mul3A = arith.constant 16 : i32
    %mul3A_0 = arith.muli %arg0, %mul3A : i32
    %add3A = arith.addi %mul3A_0, %arg1 : i32
    %scan3A = arith.constant 0 : i32
    %scan3A_1 = arith.constant 0 : i32
    %scan3A_2 = arith.constant 128 : i32
    %scan3A_3 = arith.addi %scan3A_1, %scan3A_2 : i32
    %scan3A_4 = arith.constant 1 : i32
    %scan3A_5 = scf.for %scan3A_26 = %scan3A_1 to %scan3A_3 step %scan3A_4 iter_args(%scan3A_27 = %scan3A) -> (i32)  : i32 {
      %jit3A = arith.constant 8 : i32
      %div3A = arith.divsi %scan3A_26, %jit3A : i32
      %sign3A = arith.constant 0 : i32
      %sign3A_28 = arith.cmpi sgt, %scan3A_26, %sign3A : i32
      %sign3A_29 = arith.extui %sign3A_28 : i1 to i32
      %sign3A_30 = arith.constant 0 : i32
      %sign3A_31 = arith.cmpi slt, %scan3A_26, %sign3A_30 : i32
      %sign3A_32 = arith.extui %sign3A_31 : i1 to i32
      %sign3A_33 = arith.subi %sign3A_29, %sign3A_32 : i32
      %sign3A_34 = arith.constant 0 : i32
      %sign3A_35 = arith.cmpi sgt, %jit3A, %sign3A_34 : i32
      %sign3A_36 = arith.extui %sign3A_35 : i1 to i32
      %sign3A_37 = arith.constant 0 : i32
      %sign3A_38 = arith.cmpi slt, %jit3A, %sign3A_37 : i32
      %sign3A_39 = arith.extui %sign3A_38 : i1 to i32
      %sign3A_40 = arith.subi %sign3A_36, %sign3A_39 : i32
      %ne3A = arith.cmpi ne, %sign3A_33, %sign3A_40 : i32
      %rem3A = arith.remsi %scan3A_26, %jit3A : i32
      %ne3A_41 = arith.constant 0 : i32
      %ne3A_42 = arith.cmpi ne, %rem3A, %ne3A_41 : i32
      %and3A = arith.andi %ne3A, %ne3A_42 : i1
      %sub3A = arith.constant 1 : i32
      %sub3A_43 = arith.subi %div3A, %sub3A : i32
      %select_n3A = arith.select %and3A, %sub3A_43, %div3A : i32
      %jit3A_44 = arith.constant 8 : i32
      %eq3A = arith.constant 0 : i32
      %eq3A_45 = arith.cmpi eq, %jit3A_44, %eq3A : i32
      %jit3A_46 = arith.constant 1 : i32
      %select_n3A_47 = arith.select %eq3A_45, %jit3A_46, %jit3A_44 : i32
      %rem3A_48 = arith.remsi %scan3A_26, %select_n3A_47 : i32
      %ne3A_49 = arith.constant 0 : i32
      %ne3A_50 = arith.cmpi ne, %rem3A_48, %ne3A_49 : i32
      %lt3A = arith.constant 0 : i32
      %lt3A_51 = arith.cmpi slt, %rem3A_48, %lt3A : i32
      %lt3A_52 = arith.constant 0 : i32
      %lt3A_53 = arith.cmpi slt, %select_n3A_47, %lt3A_52 : i32
      %ne3A_54 = arith.xori %lt3A_51, %lt3A_53 : i1
      %and3A_55 = arith.andi %ne3A_54, %ne3A_50 : i1
      %add3A_56 = arith.addi %rem3A_48, %select_n3A_47 : i32
      %select_n3A_57 = arith.select %and3A_55, %add3A_56, %rem3A_48 : i32
      %mul3A_58 = arith.constant 16 : i32
      %mul3A_59 = arith.muli %select_n3A_57, %mul3A_58 : i32
      %broadcast_in_dim3A = arith.constant 0.000000e+00 : f32
      %broadcast_in_dim3A_60 = vector.broadcast %broadcast_in_dim3A : f32 to vector<16xf32>
      %swap3A = arith.index_cast %select_n3A : i32 to index
      %swap3A_61 = arith.index_cast %mul3A_59 : i32 to index
      %swap3A_62 = tpu.vector_load %arg9[%swap3A, %swap3A_61] {strides = array<i32>} : memref<16x128xf32, #tpu.memory_space<vmem>>, vector<1x16xf32>,
      %swap3A_63 = vector.shape_cast %swap3A_62 : vector<1x16xf32> to vector<16xf32>
      %swap3A_64 = vector.shape_cast %broadcast_in_dim3A_60 : vector<16xf32> to vector<1x16xf32>
      tpu.vector_store %arg9[%swap3A, %swap3A_61], %swap3A_64 {strides = array<i32>} : memref<16x128xf32, #tpu.memory_space<vmem>>, vector<1x16xf32>,
      %scan3A_65 = arith.constant 0 : i32
      scf.yield %scan3A_65 : i32
    }
    %scan3A_6 = arith.constant 128 : i32
    %scan3A_7 = arith.constant 0 : i32
    %scan3A_8 = arith.constant 0 : i32
    %scan3A_9 = arith.constant 40 : i32
    %scan3A_10 = arith.addi %scan3A_8, %scan3A_9 : i32
    %scan3A_11 = arith.constant 1 : i32
    %scan3A_12 = scf.for %scan3A_26 = %scan3A_8 to %scan3A_10 step %scan3A_11 iter_args(%scan3A_27 = %scan3A_7) -> (i32)  : i32 {
      %mul3A_28 = arith.constant 640 : i32
      %mul3A_29 = arith.muli %arg1, %mul3A_28 : i32
      %mul3A_30 = arith.constant 16 : i32
      %mul3A_31 = arith.muli %scan3A_26, %mul3A_30 : i32
      %add3A_32 = arith.addi %mul3A_29, %mul3A_31 : i32
      "tpu.region"() ({
        %run_scoped3A = tpu.sem_alloc : memref<!tpu.dma_semaphore, #tpu.memory_space<semaphore_mem>>
        %dma_start3A = arith.constant 0 : i32
        %dma_start3A_34 = tpu.memref_slice %arg10[%add3A_32, %dma_start3A] : memref<10240x128xf32, #tpu.memory_space<vmem_shared>> -> memref<16x128xf32, #tpu.memory_space<vmem_shared>>
        %dma_start3A_35 = arith.constant 0 : i32
        %dma_start3A_36 = tpu.memref_slice %arg10[%add3A_32, %dma_start3A_35] : memref<10240x128xf32, #tpu.memory_space<vmem_shared>> -> memref<16x128xf32, #tpu.memory_space<vmem_shared>>
        tpu.enqueue_dma source(%arg9 : memref<16x128xf32, #tpu.memory_space<vmem>>) target(%dma_start3A_36 : memref<16x128xf32, #tpu.memory_space<vmem_shared>>) target_semaphore(%run_scoped3A : memref<!tpu.dma_semaphore, #tpu.memory_space<semaphore_mem>>)
        %dma_wait3A = arith.constant 0 : i32
        %dma_wait3A_37 = tpu.memref_slice %arg10[%add3A_32, %dma_wait3A] : memref<10240x128xf32, #tpu.memory_space<vmem_shared>> -> memref<16x128xf32, #tpu.memory_space<vmem_shared>>
        %dma_wait3A_38 = arith.constant 0 : i32
        %dma_wait3A_39 = tpu.memref_slice %arg10[%add3A_32, %dma_wait3A_38] : memref<10240x128xf32, #tpu.memory_space<vmem_shared>> -> memref<16x128xf32, #tpu.memory_space<vmem_shared>>
        tpu.wait_dma2 semaphore(%run_scoped3A : memref<!tpu.dma_semaphore, #tpu.memory_space<semaphore_mem>>) src(%arg9 : memref<16x128xf32, #tpu.memory_space<vmem>>) dst(%dma_wait3A_39 : memref<16x128xf32, #tpu.memory_space<vmem_shared>>)
        tpu.yield
      }) : () -> ()
      %scan3A_33 = arith.constant 0 : i32
      scf.yield %scan3A_33 : i32
    }
    %scan3A_13 = arith.constant 40 : i32
    %barrier3A = arith.constant 0 : index
    tpu.barrier barrier_id(%barrier3A)
    %scan3A_14 = arith.constant 0 : i32
    %scan3A_15 = arith.constant 0 : i32
    %scan3A_16 = arith.constant 79 : i32
    %scan3A_17 = arith.addi %scan3A_15, %scan3A_16 : i32
    %scan3A_18 = arith.constant 1 : i32
    %scan3A_19 = scf.for %scan3A_26 = %scan3A_15 to %scan3A_17 step %scan3A_18 iter_args(%scan3A_27 = %scan3A_14) -> (i32)  : i32 {
      %mul3A_28 = arith.constant 10112 : i32
      %mul3A_29 = arith.muli %add3A, %mul3A_28 : i32
      %mul3A_30 = arith.constant 128 : i32
      %mul3A_31 = arith.muli %scan3A_26, %mul3A_30 : i32
      %add3A_32 = arith.addi %mul3A_29, %mul3A_31 : i32
      "tpu.region"() ({
        %run_scoped3A = tpu.sem_alloc : memref<!tpu.dma_semaphore, #tpu.memory_space<semaphore_mem>>
        %dma_start3A_38 = tpu.memref_slice %arg3[%add3A_32] : memref<323584xi32, #tpu.memory_space<hbm>> -> memref<128xi32, #tpu.memory_space<hbm>>
        %dma_start3A_39 = tpu.memref_slice %arg3[%add3A_32] : memref<323584xi32, #tpu.memory_space<hbm>> -> memref<128xi32, #tpu.memory_space<hbm>>
        tpu.enqueue_dma source(%dma_start3A_39 : memref<128xi32, #tpu.memory_space<hbm>>) target(%arg6 : memref<128xi32, #tpu.memory_space<vmem>>) target_semaphore(%run_scoped3A : memref<!tpu.dma_semaphore, #tpu.memory_space<semaphore_mem>>)
        %dma_wait3A_40 = tpu.memref_slice %arg3[%add3A_32] : memref<323584xi32, #tpu.memory_space<hbm>> -> memref<128xi32, #tpu.memory_space<hbm>>
        %dma_wait3A_41 = tpu.memref_slice %arg3[%add3A_32] : memref<323584xi32, #tpu.memory_space<hbm>> -> memref<128xi32, #tpu.memory_space<hbm>>
        tpu.wait_dma2 semaphore(%run_scoped3A : memref<!tpu.dma_semaphore, #tpu.memory_space<semaphore_mem>>) src(%dma_wait3A_41 : memref<128xi32, #tpu.memory_space<hbm>>) dst(%arg6 : memref<128xi32, #tpu.memory_space<vmem>>)
        tpu.yield
      }) : () -> ()
      "tpu.region"() ({
        %run_scoped3A = tpu.sem_alloc : memref<!tpu.dma_semaphore, #tpu.memory_space<semaphore_mem>>
        %dma_start3A_38 = tpu.memref_slice %arg4[%add3A_32] : memref<323584xi32, #tpu.memory_space<hbm>> -> memref<128xi32, #tpu.memory_space<hbm>>
        %dma_start3A_39 = tpu.memref_slice %arg4[%add3A_32] : memref<323584xi32, #tpu.memory_space<hbm>> -> memref<128xi32, #tpu.memory_space<hbm>>
        tpu.enqueue_dma source(%dma_start3A_39 : memref<128xi32, #tpu.memory_space<hbm>>) target(%arg7 : memref<128xi32, #tpu.memory_space<vmem>>) target_semaphore(%run_scoped3A : memref<!tpu.dma_semaphore, #tpu.memory_space<semaphore_mem>>)
        %dma_wait3A_40 = tpu.memref_slice %arg4[%add3A_32] : memref<323584xi32, #tpu.memory_space<hbm>> -> memref<128xi32, #tpu.memory_space<hbm>>
        %dma_wait3A_41 = tpu.memref_slice %arg4[%add3A_32] : memref<323584xi32, #tpu.memory_space<hbm>> -> memref<128xi32, #tpu.memory_space<hbm>>
        tpu.wait_dma2 semaphore(%run_scoped3A : memref<!tpu.dma_semaphore, #tpu.memory_space<semaphore_mem>>) src(%dma_wait3A_41 : memref<128xi32, #tpu.memory_space<hbm>>) dst(%arg7 : memref<128xi32, #tpu.memory_space<vmem>>)
        tpu.yield
      }) : () -> ()
      %dma_start3A = arith.constant 0 : i32
      %dma_start3A_33 = arith.constant 0 : i32
      %dma_start3A_34 = tpu.memref_slice %arg2[%dma_start3A, %dma_start3A_33] : memref<10240x128xf32, #tpu.memory_space<hbm>> -> memref<10240x128xf32, #tpu.memory_space<hbm>>
      tpu.enqueue_indirect_dma source(%dma_start3A_34 : memref<10240x128xf32, #tpu.memory_space<hbm>>) target(%arg8 : memref<128x128xf32, #tpu.memory_space<vmem>>) offsets(%arg6 : memref<128xi32, #tpu.memory_space<vmem>>) semaphore(%arg11 : memref<!tpu.dma_semaphore, #tpu.memory_space<semaphore_mem>>)
      %dma_wait3A = arith.constant 0 : i32
      %dma_wait3A_35 = arith.constant 0 : i32
      %dma_wait3A_36 = tpu.memref_slice %arg2[%dma_wait3A, %dma_wait3A_35] : memref<10240x128xf32, #tpu.memory_space<hbm>> -> memref<10240x128xf32, #tpu.memory_space<hbm>>
      tpu.wait_indirect_dma semaphore(%arg11 : memref<!tpu.dma_semaphore, #tpu.memory_space<semaphore_mem>>) src(%dma_wait3A_36 : memref<10240x128xf32, #tpu.memory_space<hbm>>) dst(%arg8 : memref<128x128xf32, #tpu.memory_space<vmem>>)
      "tpu.region"() ({
        %run_scoped3A = tpu.sem_alloc : memref<!tpu.dma_semaphore, #tpu.memory_space<semaphore_mem>>
        %dma_start3A_38 = arith.constant 0 : i32
        %dma_start3A_39 = arith.constant 0 : i32
        %dma_start3A_40 = tpu.memref_slice %arg10[%dma_start3A_38, %dma_start3A_39] : memref<10240x128xf32, #tpu.memory_space<vmem_shared>> -> memref<10240x128xf32, #tpu.memory_space<vmem_shared>>
        tpu.enqueue_indirect_dma source(%arg8 : memref<128x128xf32, #tpu.memory_space<vmem>>) target(%dma_start3A_40 : memref<10240x128xf32, #tpu.memory_space<vmem_shared>>) offsets(%arg7 : memref<128xi32, #tpu.memory_space<vmem>>) semaphore(%run_scoped3A : memref<!tpu.dma_semaphore, #tpu.memory_space<semaphore_mem>>) {add = true}
        %dma_wait3A_41 = arith.constant 0 : i32
        %dma_wait3A_42 = arith.constant 0 : i32
        %dma_wait3A_43 = tpu.memref_slice %arg10[%dma_wait3A_41, %dma_wait3A_42] : memref<10240x128xf32, #tpu.memory_space<vmem_shared>> -> memref<10240x128xf32, #tpu.memory_space<vmem_shared>>
        tpu.wait_indirect_dma semaphore(%run_scoped3A : memref<!tpu.dma_semaphore, #tpu.memory_space<semaphore_mem>>) src(%arg8 : memref<128x128xf32, #tpu.memory_space<vmem>>) dst(%dma_wait3A_43 : memref<10240x128xf32, #tpu.memory_space<vmem_shared>>)
        tpu.yield
      }) : () -> ()
      %scan3A_37 = arith.constant 0 : i32
      scf.yield %scan3A_37 : i32
    }
    %scan3A_20 = arith.constant 79 : i32
    %barrier3A_21 = arith.constant 0 : index
    tpu.barrier barrier_id(%barrier3A_21)
    %mul3A_22 = arith.constant 640 : i32
    %mul3A_23 = arith.muli %arg1, %mul3A_22 : i32
    %mul3A_24 = arith.constant 640 : i32
    %mul3A_25 = arith.muli %arg1, %mul3A_24 : i32
    "tpu.region"() ({
      %run_scoped3A = tpu.sem_alloc : memref<!tpu.dma_semaphore, #tpu.memory_space<semaphore_mem>>
      %dma_start3A = arith.constant 0 : i32
      %dma_start3A_26 = tpu.memref_slice %arg5[%arg0, %mul3A_25, %dma_start3A] : memref<2x10240x128xf32, #tpu.memory_space<hbm>> -> memref<1x640x128xf32, #tpu.memory_space<hbm>>
      %dma_start3A_27 = tpu.memref_squeeze %dma_start3A_26 : memref<1x640x128xf32, #tpu.memory_space<hbm>> -> memref<640x128xf32, #tpu.memory_space<hbm>>
      %dma_start3A_28 = arith.constant 0 : i32
      %dma_start3A_29 = tpu.memref_slice %arg10[%mul3A_23, %dma_start3A_28] : memref<10240x128xf32, #tpu.memory_space<vmem_shared>> -> memref<640x128xf32, #tpu.memory_space<vmem_shared>>
      tpu.enqueue_dma source(%dma_start3A_29 : memref<640x128xf32, #tpu.memory_space<vmem_shared>>) target(%dma_start3A_27 : memref<640x128xf32, #tpu.memory_space<hbm>>) target_semaphore(%run_scoped3A : memref<!tpu.dma_semaphore, #tpu.memory_space<semaphore_mem>>)
      %dma_wait3A = arith.constant 0 : i32
      %dma_wait3A_30 = tpu.memref_slice %arg5[%arg0, %mul3A_25, %dma_wait3A] : memref<2x10240x128xf32, #tpu.memory_space<hbm>> -> memref<1x640x128xf32, #tpu.memory_space<hbm>>
      %dma_wait3A_31 = tpu.memref_squeeze %dma_wait3A_30 : memref<1x640x128xf32, #tpu.memory_space<hbm>> -> memref<640x128xf32, #tpu.memory_space<hbm>>
      %dma_wait3A_32 = arith.constant 0 : i32
      %dma_wait3A_33 = tpu.memref_slice %arg10[%mul3A_23, %dma_wait3A_32] : memref<10240x128xf32, #tpu.memory_space<vmem_shared>> -> memref<640x128xf32, #tpu.memory_space<vmem_shared>>
      tpu.wait_dma2 semaphore(%run_scoped3A : memref<!tpu.dma_semaphore, #tpu.memory_space<semaphore_mem>>) src(%dma_wait3A_33 : memref<640x128xf32, #tpu.memory_space<vmem_shared>>) dst(%dma_wait3A_31 : memref<640x128xf32, #tpu.memory_space<hbm>>)
      tpu.yield
    }) : () -> ()
    return
  }
}

module attributes {stable_mosaic.version = 14 : i64} {
  func.func @_tc_first(%arg0: memref<2x10240xf32, #tpu.memory_space<vmem>>, %arg1: memref<10000x128xf32, #tpu.memory_space<vmem>>, %arg2: memref<128x128xf32, #tpu.memory_space<vmem>>, %arg3: memref<10240x128xf32, #tpu.memory_space<vmem>>, %arg4: memref<10000x1xf32, #tpu.memory_space<vmem>>) attributes {dimension_semantics = [], scalar_prefetch = 0 : i64, scratch_operands = 0 : i64, tpu.core_type = #tpu.core_type<tc>} {
    %get3A = arith.constant 0 : index
    %get3A_0 = arith.constant 0 : index
    %get3A_1 = vector.load %arg0[%get3A, %get3A_0] : memref<2x10240xf32, #tpu.memory_space<vmem>>, vector<1x10000xf32>
    %get3A_2 = vector.shape_cast %get3A_1 : vector<1x10000xf32> to vector<10000xf32>
    %get3A_3 = arith.constant 1 : index
    %get3A_4 = arith.constant 0 : index
    %get3A_5 = vector.load %arg0[%get3A_3, %get3A_4] : memref<2x10240xf32, #tpu.memory_space<vmem>>, vector<1x10000xf32>
    %get3A_6 = vector.shape_cast %get3A_5 : vector<1x10000xf32> to vector<10000xf32>
    %add3A = arith.addf %get3A_2, %get3A_6 : vector<10000xf32>
    %add3A_7 = arith.constant 1.000000e+00 : f32
    %add3A_8 = vector.broadcast %add3A_7 : f32 to vector<10000xf32>
    %add3A_9 = arith.addf %add3A, %add3A_8 : vector<10000xf32>
    %rsqrt3A = math.rsqrt %add3A_9 : vector<10000xf32>
    %broadcast_in_dim3A = vector.shape_cast %rsqrt3A : vector<10000xf32> to vector<10000x1xf32>
    %get3A_10 = arith.constant 0 : index
    %get3A_11 = arith.constant 0 : index
    %get3A_12 = vector.load %arg1[%get3A_10, %get3A_11] : memref<10000x128xf32, #tpu.memory_space<vmem>>, vector<10000x128xf32>
    %get3A_13 = arith.constant 0 : index
    %get3A_14 = arith.constant 0 : index
    %get3A_15 = vector.load %arg2[%get3A_13, %get3A_14] : memref<128x128xf32, #tpu.memory_space<vmem>>, vector<128x128xf32>
    %dot_general3A = arith.constant dense<0.000000e+00> : vector<10000x128xf32>
    %dot_general3A_16 = tpu.matmul %get3A_12, %get3A_15, %dot_general3A {dimension_numbers = #tpu.dot_dimension_numbers<[1], [0], [0], [1], [0, 0, 1, 1], [], []>, transpose_lhs_hint = false} : vector<10000x128xf32>, vector<128x128xf32>, vector<10000x128xf32> -> vector<10000x128xf32>
    %mul3A = vector.broadcast %broadcast_in_dim3A : vector<10000x1xf32> to vector<10000x128xf32>
    %mul3A_17 = arith.mulf %dot_general3A_16, %mul3A : vector<10000x128xf32>
    %swap3A = arith.constant 0 : index
    %swap3A_18 = arith.constant 0 : index
    %swap3A_19 = vector.load %arg3[%swap3A, %swap3A_18] : memref<10240x128xf32, #tpu.memory_space<vmem>>, vector<10000x128xf32>
    tpu.vector_store %arg3[%swap3A, %swap3A_18], %mul3A_17 {strides = array<i32>} : memref<10240x128xf32, #tpu.memory_space<vmem>>, vector<10000x128xf32>,
    %broadcast_in_dim3A_20 = arith.constant 0.000000e+00 : f32
    %broadcast_in_dim3A_21 = vector.broadcast %broadcast_in_dim3A_20 : f32 to vector<240x128xf32>
    %swap3A_22 = arith.constant 10000 : index
    %swap3A_23 = arith.constant 0 : index
    %swap3A_24 = vector.load %arg3[%swap3A_22, %swap3A_23] : memref<10240x128xf32, #tpu.memory_space<vmem>>, vector<240x128xf32>
    tpu.vector_store %arg3[%swap3A_22, %swap3A_23], %broadcast_in_dim3A_21 {strides = array<i32>} : memref<10240x128xf32, #tpu.memory_space<vmem>>, vector<240x128xf32>,
    %swap3A_25 = arith.constant 0 : index
    %swap3A_26 = arith.constant 0 : index
    %swap3A_27 = vector.load %arg4[%swap3A_25, %swap3A_26] : memref<10000x1xf32, #tpu.memory_space<vmem>>, vector<10000x1xf32>
    tpu.vector_store %arg4[%swap3A_25, %swap3A_26], %broadcast_in_dim3A {strides = array<i32>} : memref<10000x1xf32, #tpu.memory_space<vmem>>, vector<10000x1xf32>,
    return
  }
}

module attributes {stable_mosaic.version = 14 : i64} {
  func.func @_tc_mid(%arg0: memref<2x10240x128xf32, #tpu.memory_space<vmem>>, %arg1: memref<10240x128xf32, #tpu.memory_space<vmem>>, %arg2: memref<10000x1xf32, #tpu.memory_space<vmem>>, %arg3: memref<128xf32, #tpu.memory_space<vmem>>, %arg4: memref<128xf32, #tpu.memory_space<vmem>>, %arg5: memref<128xf32, #tpu.memory_space<vmem>>, %arg6: memref<128x64xf32, #tpu.memory_space<vmem>>, %arg7: memref<10240x128xf32, #tpu.memory_space<vmem>>) attributes {dimension_semantics = [], scalar_prefetch = 0 : i64, scratch_operands = 0 : i64, tpu.core_type = #tpu.core_type<tc>} {
    %get3A = arith.constant 0 : index
    %get3A_0 = arith.constant 0 : index
    %get3A_1 = vector.load %arg2[%get3A, %get3A_0] : memref<10000x1xf32, #tpu.memory_space<vmem>>, vector<10000x1xf32>
    %get3A_2 = arith.constant 0 : index
    %get3A_3 = arith.constant 0 : index
    %get3A_4 = arith.constant 0 : index
    %get3A_5 = vector.load %arg0[%get3A_2, %get3A_3, %get3A_4] : memref<2x10240x128xf32, #tpu.memory_space<vmem>>, vector<1x10000x128xf32>
    %get3A_6 = vector.shape_cast %get3A_5 : vector<1x10000x128xf32> to vector<10000x128xf32>
    %get3A_7 = arith.constant 1 : index
    %get3A_8 = arith.constant 0 : index
    %get3A_9 = arith.constant 0 : index
    %get3A_10 = vector.load %arg0[%get3A_7, %get3A_8, %get3A_9] : memref<2x10240x128xf32, #tpu.memory_space<vmem>>, vector<1x10000x128xf32>
    %get3A_11 = vector.shape_cast %get3A_10 : vector<1x10000x128xf32> to vector<10000x128xf32>
    %add3A = arith.addf %get3A_6, %get3A_11 : vector<10000x128xf32>
    %get3A_12 = arith.constant 0 : index
    %get3A_13 = arith.constant 0 : index
    %get3A_14 = vector.load %arg1[%get3A_12, %get3A_13] : memref<10240x128xf32, #tpu.memory_space<vmem>>, vector<10000x128xf32>
    %add3A_15 = arith.addf %add3A, %get3A_14 : vector<10000x128xf32>
    %mul3A = vector.broadcast %get3A_1 : vector<10000x1xf32> to vector<10000x128xf32>
    %mul3A_16 = arith.mulf %add3A_15, %mul3A : vector<10000x128xf32>
    %get3A_17 = arith.constant 0 : index
    %get3A_18 = vector.load %arg3[%get3A_17] : memref<128xf32, #tpu.memory_space<vmem>>, vector<128xf32>
    %broadcast_in_dim3A = vector.shape_cast %get3A_18 : vector<128xf32> to vector<1x128xf32>
    %add3A_19 = vector.broadcast %broadcast_in_dim3A : vector<1x128xf32> to vector<10000x128xf32>
    %add3A_20 = arith.addf %mul3A_16, %add3A_19 : vector<10000x128xf32>
    %reduce_sum3A = arith.constant dense<0.000000e+00> : vector<128xf32>
    %reduce_sum3A_21 = vector.multi_reduction <add>, %add3A_20, %reduce_sum3A [0] : vector<10000x128xf32> to vector<128xf32>
    %div3A = arith.constant 1.000000e+04 : f32
    %div3A_22 = vector.broadcast %div3A : f32 to vector<128xf32>
    %div3A_23 = arith.divf %reduce_sum3A_21, %div3A_22 : vector<128xf32>
    %broadcast_in_dim3A_24 = vector.shape_cast %div3A_23 : vector<128xf32> to vector<1x128xf32>
    %sub3A = vector.broadcast %broadcast_in_dim3A_24 : vector<1x128xf32> to vector<10000x128xf32>
    %sub3A_25 = arith.subf %add3A_20, %sub3A : vector<10000x128xf32>
    %integer_pow3A = arith.mulf %sub3A_25, %sub3A_25 : vector<10000x128xf32>
    %reduce_sum3A_26 = arith.constant dense<0.000000e+00> : vector<128xf32>
    %reduce_sum3A_27 = vector.multi_reduction <add>, %integer_pow3A, %reduce_sum3A_26 [0] : vector<10000x128xf32> to vector<128xf32>
    %div3A_28 = arith.constant 1.000000e+04 : f32
    %div3A_29 = vector.broadcast %div3A_28 : f32 to vector<128xf32>
    %div3A_30 = arith.divf %reduce_sum3A_27, %div3A_29 : vector<128xf32>
    %broadcast_in_dim3A_31 = vector.shape_cast %div3A_23 : vector<128xf32> to vector<1x128xf32>
    %sub3A_32 = vector.broadcast %broadcast_in_dim3A_31 : vector<1x128xf32> to vector<10000x128xf32>
    %sub3A_33 = arith.subf %add3A_20, %sub3A_32 : vector<10000x128xf32>
    %add3A_34 = arith.constant 9.99999974E-6 : f32
    %add3A_35 = vector.broadcast %add3A_34 : f32 to vector<128xf32>
    %add3A_36 = arith.addf %div3A_30, %add3A_35 : vector<128xf32>
    %rsqrt3A = math.rsqrt %add3A_36 : vector<128xf32>
    %broadcast_in_dim3A_37 = vector.shape_cast %rsqrt3A : vector<128xf32> to vector<1x128xf32>
    %mul3A_38 = vector.broadcast %broadcast_in_dim3A_37 : vector<1x128xf32> to vector<10000x128xf32>
    %mul3A_39 = arith.mulf %sub3A_33, %mul3A_38 : vector<10000x128xf32>
    %get3A_40 = arith.constant 0 : index
    %get3A_41 = vector.load %arg4[%get3A_40] : memref<128xf32, #tpu.memory_space<vmem>>, vector<128xf32>
    %broadcast_in_dim3A_42 = vector.shape_cast %get3A_41 : vector<128xf32> to vector<1x128xf32>
    %mul3A_43 = vector.broadcast %broadcast_in_dim3A_42 : vector<1x128xf32> to vector<10000x128xf32>
    %mul3A_44 = arith.mulf %mul3A_39, %mul3A_43 : vector<10000x128xf32>
    %get3A_45 = arith.constant 0 : index
    %get3A_46 = vector.load %arg5[%get3A_45] : memref<128xf32, #tpu.memory_space<vmem>>, vector<128xf32>
    %broadcast_in_dim3A_47 = vector.shape_cast %get3A_46 : vector<128xf32> to vector<1x128xf32>
    %add3A_48 = vector.broadcast %broadcast_in_dim3A_47 : vector<1x128xf32> to vector<10000x128xf32>
    %add3A_49 = arith.addf %mul3A_44, %add3A_48 : vector<10000x128xf32>
    %ge3A = arith.constant 0.000000e+00 : f32
    %ge3A_50 = vector.broadcast %ge3A : f32 to vector<10000x128xf32>
    %ge3A_51 = arith.cmpf oge, %add3A_49, %ge3A_50 : vector<10000x128xf32>
    %mul3A_52 = arith.constant 0.00999999977 : f32
    %mul3A_53 = vector.broadcast %mul3A_52 : f32 to vector<10000x128xf32>
    %mul3A_54 = arith.mulf %mul3A_53, %add3A_49 : vector<10000x128xf32>
    %select_n3A = arith.select %ge3A_51, %add3A_49, %mul3A_54 : vector<10000x128xi1>, vector<10000x128xf32>
    %get3A_55 = arith.constant 0 : index
    %get3A_56 = arith.constant 0 : index
    %get3A_57 = vector.load %arg6[%get3A_55, %get3A_56] : memref<128x64xf32, #tpu.memory_space<vmem>>, vector<128x64xf32>
    %dot_general3A = arith.constant dense<0.000000e+00> : vector<10000x64xf32>
    %dot_general3A_58 = tpu.matmul %select_n3A, %get3A_57, %dot_general3A {dimension_numbers = #tpu.dot_dimension_numbers<[1], [0], [0], [1], [0, 0, 1, 1], [], []>, transpose_lhs_hint = false} : vector<10000x128xf32>, vector<128x64xf32>, vector<10000x64xf32> -> vector<10000x64xf32>
    %mul3A_59 = vector.broadcast %get3A_1 : vector<10000x1xf32> to vector<10000x64xf32>
    %mul3A_60 = arith.mulf %dot_general3A_58, %mul3A_59 : vector<10000x64xf32>
    %swap3A = arith.constant 0 : index
    %swap3A_61 = arith.constant 0 : index
    %swap3A_62 = vector.load %arg7[%swap3A, %swap3A_61] : memref<10240x128xf32, #tpu.memory_space<vmem>>, vector<10000x64xf32>
    tpu.vector_store %arg7[%swap3A, %swap3A_61], %mul3A_60 {strides = array<i32>} : memref<10240x128xf32, #tpu.memory_space<vmem>>, vector<10000x64xf32>,
    %broadcast_in_dim3A_63 = arith.constant 0.000000e+00 : f32
    %broadcast_in_dim3A_64 = vector.broadcast %broadcast_in_dim3A_63 : f32 to vector<10000x64xf32>
    %swap3A_65 = arith.constant 0 : index
    %swap3A_66 = arith.constant 64 : index
    %swap3A_67 = vector.load %arg7[%swap3A_65, %swap3A_66] : memref<10240x128xf32, #tpu.memory_space<vmem>>, vector<10000x64xf32>
    tpu.vector_store %arg7[%swap3A_65, %swap3A_66], %broadcast_in_dim3A_64 {strides = array<i32>} : memref<10240x128xf32, #tpu.memory_space<vmem>>, vector<10000x64xf32>,
    %broadcast_in_dim3A_68 = arith.constant 0.000000e+00 : f32
    %broadcast_in_dim3A_69 = vector.broadcast %broadcast_in_dim3A_68 : f32 to vector<240x128xf32>
    %swap3A_70 = arith.constant 10000 : index
    %swap3A_71 = arith.constant 0 : index
    %swap3A_72 = vector.load %arg7[%swap3A_70, %swap3A_71] : memref<10240x128xf32, #tpu.memory_space<vmem>>, vector<240x128xf32>
    tpu.vector_store %arg7[%swap3A_70, %swap3A_71], %broadcast_in_dim3A_69 {strides = array<i32>} : memref<10240x128xf32, #tpu.memory_space<vmem>>, vector<240x128xf32>,
    return
  }
}

module attributes {stable_mosaic.version = 14 : i64} {
  func.func @_tc_mid(%arg0: memref<2x10240x128xf32, #tpu.memory_space<vmem>>, %arg1: memref<10240x128xf32, #tpu.memory_space<vmem>>, %arg2: memref<10000x1xf32, #tpu.memory_space<vmem>>, %arg3: memref<64xf32, #tpu.memory_space<vmem>>, %arg4: memref<64xf32, #tpu.memory_space<vmem>>, %arg5: memref<64xf32, #tpu.memory_space<vmem>>, %arg6: memref<64x128xf32, #tpu.memory_space<vmem>>, %arg7: memref<10240x128xf32, #tpu.memory_space<vmem>>) attributes {dimension_semantics = [], scalar_prefetch = 0 : i64, scratch_operands = 0 : i64, tpu.core_type = #tpu.core_type<tc>} {
    %get3A = arith.constant 0 : index
    %get3A_0 = arith.constant 0 : index
    %get3A_1 = vector.load %arg2[%get3A, %get3A_0] : memref<10000x1xf32, #tpu.memory_space<vmem>>, vector<10000x1xf32>
    %get3A_2 = arith.constant 0 : index
    %get3A_3 = arith.constant 0 : index
    %get3A_4 = arith.constant 0 : index
    %get3A_5 = vector.load %arg0[%get3A_2, %get3A_3, %get3A_4] : memref<2x10240x128xf32, #tpu.memory_space<vmem>>, vector<1x10000x64xf32>
    %get3A_6 = vector.shape_cast %get3A_5 : vector<1x10000x64xf32> to vector<10000x64xf32>
    %get3A_7 = arith.constant 1 : index
    %get3A_8 = arith.constant 0 : index
    %get3A_9 = arith.constant 0 : index
    %get3A_10 = vector.load %arg0[%get3A_7, %get3A_8, %get3A_9] : memref<2x10240x128xf32, #tpu.memory_space<vmem>>, vector<1x10000x64xf32>
    %get3A_11 = vector.shape_cast %get3A_10 : vector<1x10000x64xf32> to vector<10000x64xf32>
    %add3A = arith.addf %get3A_6, %get3A_11 : vector<10000x64xf32>
    %get3A_12 = arith.constant 0 : index
    %get3A_13 = arith.constant 0 : index
    %get3A_14 = vector.load %arg1[%get3A_12, %get3A_13] : memref<10240x128xf32, #tpu.memory_space<vmem>>, vector<10000x64xf32>
    %add3A_15 = arith.addf %add3A, %get3A_14 : vector<10000x64xf32>
    %mul3A = vector.broadcast %get3A_1 : vector<10000x1xf32> to vector<10000x64xf32>
    %mul3A_16 = arith.mulf %add3A_15, %mul3A : vector<10000x64xf32>
    %get3A_17 = arith.constant 0 : index
    %get3A_18 = vector.load %arg3[%get3A_17] : memref<64xf32, #tpu.memory_space<vmem>>, vector<64xf32>
    %broadcast_in_dim3A = vector.shape_cast %get3A_18 : vector<64xf32> to vector<1x64xf32>
    %add3A_19 = vector.broadcast %broadcast_in_dim3A : vector<1x64xf32> to vector<10000x64xf32>
    %add3A_20 = arith.addf %mul3A_16, %add3A_19 : vector<10000x64xf32>
    %reduce_sum3A = arith.constant dense<0.000000e+00> : vector<64xf32>
    %reduce_sum3A_21 = vector.multi_reduction <add>, %add3A_20, %reduce_sum3A [0] : vector<10000x64xf32> to vector<64xf32>
    %div3A = arith.constant 1.000000e+04 : f32
    %div3A_22 = vector.broadcast %div3A : f32 to vector<64xf32>
    %div3A_23 = arith.divf %reduce_sum3A_21, %div3A_22 : vector<64xf32>
    %broadcast_in_dim3A_24 = vector.shape_cast %div3A_23 : vector<64xf32> to vector<1x64xf32>
    %sub3A = vector.broadcast %broadcast_in_dim3A_24 : vector<1x64xf32> to vector<10000x64xf32>
    %sub3A_25 = arith.subf %add3A_20, %sub3A : vector<10000x64xf32>
    %integer_pow3A = arith.mulf %sub3A_25, %sub3A_25 : vector<10000x64xf32>
    %reduce_sum3A_26 = arith.constant dense<0.000000e+00> : vector<64xf32>
    %reduce_sum3A_27 = vector.multi_reduction <add>, %integer_pow3A, %reduce_sum3A_26 [0] : vector<10000x64xf32> to vector<64xf32>
    %div3A_28 = arith.constant 1.000000e+04 : f32
    %div3A_29 = vector.broadcast %div3A_28 : f32 to vector<64xf32>
    %div3A_30 = arith.divf %reduce_sum3A_27, %div3A_29 : vector<64xf32>
    %broadcast_in_dim3A_31 = vector.shape_cast %div3A_23 : vector<64xf32> to vector<1x64xf32>
    %sub3A_32 = vector.broadcast %broadcast_in_dim3A_31 : vector<1x64xf32> to vector<10000x64xf32>
    %sub3A_33 = arith.subf %add3A_20, %sub3A_32 : vector<10000x64xf32>
    %add3A_34 = arith.constant 9.99999974E-6 : f32
    %add3A_35 = vector.broadcast %add3A_34 : f32 to vector<64xf32>
    %add3A_36 = arith.addf %div3A_30, %add3A_35 : vector<64xf32>
    %rsqrt3A = math.rsqrt %add3A_36 : vector<64xf32>
    %broadcast_in_dim3A_37 = vector.shape_cast %rsqrt3A : vector<64xf32> to vector<1x64xf32>
    %mul3A_38 = vector.broadcast %broadcast_in_dim3A_37 : vector<1x64xf32> to vector<10000x64xf32>
    %mul3A_39 = arith.mulf %sub3A_33, %mul3A_38 : vector<10000x64xf32>
    %get3A_40 = arith.constant 0 : index
    %get3A_41 = vector.load %arg4[%get3A_40] : memref<64xf32, #tpu.memory_space<vmem>>, vector<64xf32>
    %broadcast_in_dim3A_42 = vector.shape_cast %get3A_41 : vector<64xf32> to vector<1x64xf32>
    %mul3A_43 = vector.broadcast %broadcast_in_dim3A_42 : vector<1x64xf32> to vector<10000x64xf32>
    %mul3A_44 = arith.mulf %mul3A_39, %mul3A_43 : vector<10000x64xf32>
    %get3A_45 = arith.constant 0 : index
    %get3A_46 = vector.load %arg5[%get3A_45] : memref<64xf32, #tpu.memory_space<vmem>>, vector<64xf32>
    %broadcast_in_dim3A_47 = vector.shape_cast %get3A_46 : vector<64xf32> to vector<1x64xf32>
    %add3A_48 = vector.broadcast %broadcast_in_dim3A_47 : vector<1x64xf32> to vector<10000x64xf32>
    %add3A_49 = arith.addf %mul3A_44, %add3A_48 : vector<10000x64xf32>
    %ge3A = arith.constant 0.000000e+00 : f32
    %ge3A_50 = vector.broadcast %ge3A : f32 to vector<10000x64xf32>
    %ge3A_51 = arith.cmpf oge, %add3A_49, %ge3A_50 : vector<10000x64xf32>
    %mul3A_52 = arith.constant 0.00999999977 : f32
    %mul3A_53 = vector.broadcast %mul3A_52 : f32 to vector<10000x64xf32>
    %mul3A_54 = arith.mulf %mul3A_53, %add3A_49 : vector<10000x64xf32>
    %select_n3A = arith.select %ge3A_51, %add3A_49, %mul3A_54 : vector<10000x64xi1>, vector<10000x64xf32>
    %get3A_55 = arith.constant 0 : index
    %get3A_56 = arith.constant 0 : index
    %get3A_57 = vector.load %arg6[%get3A_55, %get3A_56] : memref<64x128xf32, #tpu.memory_space<vmem>>, vector<64x128xf32>
    %dot_general3A = arith.constant dense<0.000000e+00> : vector<10000x128xf32>
    %dot_general3A_58 = tpu.matmul %select_n3A, %get3A_57, %dot_general3A {dimension_numbers = #tpu.dot_dimension_numbers<[1], [0], [0], [1], [0, 0, 1, 1], [], []>, transpose_lhs_hint = false} : vector<10000x64xf32>, vector<64x128xf32>, vector<10000x128xf32> -> vector<10000x128xf32>
    %mul3A_59 = vector.broadcast %get3A_1 : vector<10000x1xf32> to vector<10000x128xf32>
    %mul3A_60 = arith.mulf %dot_general3A_58, %mul3A_59 : vector<10000x128xf32>
    %swap3A = arith.constant 0 : index
    %swap3A_61 = arith.constant 0 : index
    %swap3A_62 = vector.load %arg7[%swap3A, %swap3A_61] : memref<10240x128xf32, #tpu.memory_space<vmem>>, vector<10000x128xf32>
    tpu.vector_store %arg7[%swap3A, %swap3A_61], %mul3A_60 {strides = array<i32>} : memref<10240x128xf32, #tpu.memory_space<vmem>>, vector<10000x128xf32>,
    %broadcast_in_dim3A_63 = arith.constant 0.000000e+00 : f32
    %broadcast_in_dim3A_64 = vector.broadcast %broadcast_in_dim3A_63 : f32 to vector<240x128xf32>
    %swap3A_65 = arith.constant 10000 : index
    %swap3A_66 = arith.constant 0 : index
    %swap3A_67 = vector.load %arg7[%swap3A_65, %swap3A_66] : memref<10240x128xf32, #tpu.memory_space<vmem>>, vector<240x128xf32>
    tpu.vector_store %arg7[%swap3A_65, %swap3A_66], %broadcast_in_dim3A_64 {strides = array<i32>} : memref<10240x128xf32, #tpu.memory_space<vmem>>, vector<240x128xf32>,
    return
  }
}

module attributes {stable_mosaic.version = 14 : i64} {
  func.func @_tc_last(%arg0: memref<2x10240x128xf32, #tpu.memory_space<vmem>>, %arg1: memref<10240x128xf32, #tpu.memory_space<vmem>>, %arg2: memref<10000x1xf32, #tpu.memory_space<vmem>>, %arg3: memref<128xf32, #tpu.memory_space<vmem>>, %arg4: memref<10000x128xf32, #tpu.memory_space<vmem>>) attributes {dimension_semantics = [], scalar_prefetch = 0 : i64, scratch_operands = 0 : i64, tpu.core_type = #tpu.core_type<tc>} {
    %get3A = arith.constant 0 : index
    %get3A_0 = arith.constant 0 : index
    %get3A_1 = arith.constant 0 : index
    %get3A_2 = vector.load %arg0[%get3A, %get3A_0, %get3A_1] : memref<2x10240x128xf32, #tpu.memory_space<vmem>>, vector<1x10000x128xf32>
    %get3A_3 = vector.shape_cast %get3A_2 : vector<1x10000x128xf32> to vector<10000x128xf32>
    %get3A_4 = arith.constant 1 : index
    %get3A_5 = arith.constant 0 : index
    %get3A_6 = arith.constant 0 : index
    %get3A_7 = vector.load %arg0[%get3A_4, %get3A_5, %get3A_6] : memref<2x10240x128xf32, #tpu.memory_space<vmem>>, vector<1x10000x128xf32>
    %get3A_8 = vector.shape_cast %get3A_7 : vector<1x10000x128xf32> to vector<10000x128xf32>
    %add3A = arith.addf %get3A_3, %get3A_8 : vector<10000x128xf32>
    %get3A_9 = arith.constant 0 : index
    %get3A_10 = arith.constant 0 : index
    %get3A_11 = vector.load %arg1[%get3A_9, %get3A_10] : memref<10240x128xf32, #tpu.memory_space<vmem>>, vector<10000x128xf32>
    %add3A_12 = arith.addf %add3A, %get3A_11 : vector<10000x128xf32>
    %get3A_13 = arith.constant 0 : index
    %get3A_14 = arith.constant 0 : index
    %get3A_15 = vector.load %arg2[%get3A_13, %get3A_14] : memref<10000x1xf32, #tpu.memory_space<vmem>>, vector<10000x1xf32>
    %mul3A = vector.broadcast %get3A_15 : vector<10000x1xf32> to vector<10000x128xf32>
    %mul3A_16 = arith.mulf %add3A_12, %mul3A : vector<10000x128xf32>
    %get3A_17 = arith.constant 0 : index
    %get3A_18 = vector.load %arg3[%get3A_17] : memref<128xf32, #tpu.memory_space<vmem>>, vector<128xf32>
    %broadcast_in_dim3A = vector.shape_cast %get3A_18 : vector<128xf32> to vector<1x128xf32>
    %add3A_19 = vector.broadcast %broadcast_in_dim3A : vector<1x128xf32> to vector<10000x128xf32>
    %add3A_20 = arith.addf %mul3A_16, %add3A_19 : vector<10000x128xf32>
    %swap3A = arith.constant 0 : index
    %swap3A_21 = arith.constant 0 : index
    %swap3A_22 = vector.load %arg4[%swap3A, %swap3A_21] : memref<10000x128xf32, #tpu.memory_space<vmem>>, vector<10000x128xf32>
    tpu.vector_store %arg4[%swap3A, %swap3A_21], %add3A_20 {strides = array<i32>} : memref<10000x128xf32, #tpu.memory_space<vmem>>, vector<10000x128xf32>,
    return
  }
}

</mosaic_0001>

<sc_bundles>
// kernel: kernel.10.cloned.1.call-start
scs
__scs_entry_jumppad:
0x0: {  	(pc) =	sbr.rel $0x88, $3  }
0x1: {  	(tag) =	ssettag $0x0;
	lr =	simm.s32 $0x1  }
0x2: {  	[smem:$0x3F95] =	sst lr;
	_ =	strace $0xD0000000  }
0x3: {  	_ = 	snop  }
0x4: {  	_ = 	snop  }
0x5: {  	_ = 	snop  }
0x6: {  	_ = 	snop  }
0x7: {  	_ = 	snop  }
__scs_overlays_trampoline_lowered:
0x8: {  	[smem:$0x3FA4] =	sst s0  }
0x9: {  	[smem:$0x3FA5] =	sst s1  }
0xa: {  	[smem:$0x3FA6] =	sst s2  }
0xb: {  	[smem:$0x3FA7] =	sst s3  }
0xc: {  	[smem:$0x3FA8] =	sst s4  }
0xd: {  	[smem:$0x3FA9] =	sst s5  }
0xe: {  	[smem:$0x3FAA] =	sst s6  }
0xf: {  	[smem:$0x3FAB] =	sst s7  }
0x10: {  	[smem:$0x3FAC] =	sst s8  }
0x11: {  	[smem:$0x3FAD] =	sst s9;
	s0 =	simm.s32 @!p0 $0x0  }
0x12: {  	s1 =	sld [smem:$0x3F93];
	s0 =	simm.s32 @p0 $0x1  }
0x13: {  	[smem:$0x3FAE] =	sst s0;
	s0 =	simm.s32 @!p1 $0x0  }
0x14: {  	s2 =	sld [smem:$0x3F92];
	s0 =	simm.s32 @p1 $0x1  }
0x15: {  	[smem:$0x3FAF] =	sst s0;
	s0 =	simm.s32 @!p2 $0x0  }
0x16: {  	s3 =	sld [smem:$0x3FDB];
	s0 =	simm.s32 @p2 $0x1  }
0x17: {  	s4 =	simm.s32 $0x1BF5;
	[smem:$0x3FB1] =	sst s0  }
0x18: {  	s0 =	sld [smem:$0x3F94];
	_ =	swait.ge [sflag:s4], $0x0  }
0x19: {  	s7 =	sld [smem:$0x3F95]  }
0x1a: {  	s8 =	sadd.s32 $0xFFFFE003, lr  }
0x1b: {  	s9 =	sadd.s32 $0xFFFFFEF7, lr;
	s5 =	simm.s32 $0xFFFFFFFF;
	p2 =	slt.u32 s8, $0xFFFFF086  }
0x1c: {  	p1 =	slt.u32 s9, $0xF7A;
	s5 =	simm.s32 @!p2 $0x0  }
0x1d: {  	s5 =	simm.s32 @p1 $0x1;
	p0 =	seq.s32 s7, s2  }
0x1e: {  	s7 =	smul.u32 @!p0 $0xF7A, s2;
	p2 =	seq.s32 @!p0 s5, $0x0  }
0x1f: {  	s9 =	smul.u32 $0xF7A, s1;
	s8 =	simm.s32 @!p0 $0x1BF5;
	p2 =	por !p2, p0  }
0x20: {  	[sflag:s8] =	ssyncset.s32 @!p0 $0xFFFFF086;
	s6 =	sadd.s32 @!p0 s3, s7;
	s7 =	simm.s32 @!p0 $0x108  }
0x21: {  	s3 =	sadd.s32 s3, s9;
	s6 =	sadd.s32 @!p0 $0x88, s6;
	s7 =	simm.s32 @p2 $0x1082  }
0x22: {  	[simem:s7], [sflag:s8] =	dma.local @!p0 [hbm:s6], $0xF7A  }
0x23: {  	s9 =	sor.u32 $0xD0000000, s2;
	s6 =	simm.s32 $0x108;
	_ =	swait.ge @!p0 [sflag:s8], $0x0  }
0x24: {  	s3 =	sadd.s32 $0x88, s3;
	s6 =	simm.s32 @!p1 $0x1082;
	[sflag:s4] =	ssyncset.s32 $0xFFFFF086  }
0x25: {  	[simem:s6], [sflag:s4] =	dma.local [hbm:s3], $0xF7A  }
0x26: {  	[smem:$0x3F95] =	sst s1;
	(tag) =	ssettag s2;
	_ =	strace s9  }
0x27: {  	s1 =	sld [smem:$0x3FA5]  }
0x28: {  	s2 =	sld [smem:$0x3FA6]  }
0x29: {  	s4 =	sld [smem:$0x3FA8]  }
0x2a: {  	p0 =	seq.s32 s5, $0x0;
	s5 =	sld [smem:$0x3FA9]  }
0x2b: {  	s6 =	sld [smem:$0x3FAA]  }
0x2c: {  	s7 =	sld [smem:$0x3FAB]  }
0x2d: {  	s3 =	simm.s32 $0x108;
	s8 =	sld [smem:$0x3FAC]  }
0x2e: {  	s3 =	simm.s32 @!p0 $0x1082;
	s9 =	sld [smem:$0x3FAD]  }
0x2f: {  	lr =	sadd.s32 s0, s3;
	s0 =	sld [smem:$0x3FA4]  }
0x30: {  	s3 =	sld [smem:$0x3FA7]  }
0x31: {  	[smem:$0x3FB0] =	sst s10  }
0x32: {  	s10 =	sld [smem:$0x3FAE];
	_ =	sdelay $0x3  }
0x33: {  	p0 =	seq.s32 s10, $0x1;
	s10 =	sld [smem:$0x3FB0];
	_ =	sdelay $0x3  }
0x34: {  	[smem:$0x3FB0] =	sst s10  }
0x35: {  	s10 =	sld [smem:$0x3FAF];
	_ =	sdelay $0x3  }
0x36: {  	p1 =	seq.s32 s10, $0x1;
	s10 =	sld [smem:$0x3FB0];
	_ =	sdelay $0x3  }
0x37: {  	[smem:$0x3FB0] =	sst s10  }
0x38: {  	s10 =	sld [smem:$0x3FB1]  }
0x39: {  	_ = 	snop;
	(pc) =	sbr.ind lr, $3  }
0x3a: {  	_ = 	snop  }
0x3b: {  	_ = 	snop  }
0x3c: {  	p2 =	seq.s32 s10, $0x1;
	s10 =	sld [smem:$0x3FB0]  }
0x3d: {  	_ =	shalt  }
0x3e: {  	_ =	shalt  }
0x3f: {  	_ =	shalt  }
0x40: {  	_ =	shalt  }
0x41: {  	_ =	shalt  }
0x42: {  	_ =	shalt  }
0x43: {  	_ =	shalt  }
0x44: {  	_ =	shalt  }
0x45: {  	_ =	shalt  }
0x46: {  	_ =	shalt  }
0x47: {  	_ =	shalt  }
0x48: {  	_ =	shalt  }
0x49: {  	_ =	shalt  }
0x4a: {  	_ =	shalt  }
0x4b: {  	_ =	shalt  }
0x4c: {  	_ =	shalt  }
0x4d: {  	_ =	shalt  }
0x4e: {  	_ =	shalt  }
0x4f: {  	_ =	shalt  }
0x50: {  	_ =	shalt  }
0x51: {  	_ =	shalt  }
0x52: {  	_ =	shalt  }
0x53: {  	_ =	shalt  }
0x54: {  	_ =	shalt  }
0x55: {  	_ =	shalt  }
0x56: {  	_ =	shalt  }
0x57: {  	_ =	shalt  }
0x58: {  	_ =	shalt  }
0x59: {  	_ =	shalt  }
0x5a: {  	_ =	shalt  }
0x5b: {  	_ =	shalt  }
0x5c: {  	_ =	shalt  }
0x5d: {  	_ =	shalt  }
0x5e: {  	_ =	shalt  }
0x5f: {  	_ =	shalt  }
0x60: {  	_ =	shalt  }
0x61: {  	_ =	shalt  }
0x62: {  	_ =	shalt  }
0x63: {  	_ =	shalt  }
0x64: {  	_ =	shalt  }
0x65: {  	_ =	shalt  }
0x66: {  	_ =	shalt  }
0x67: {  	_ =	shalt  }
0x68: {  	_ =	shalt  }
0x69: {  	_ =	shalt  }
0x6a: {  	_ =	shalt  }
0x6b: {  	_ =	shalt  }
0x6c: {  	_ =	shalt  }
0x6d: {  	_ =	shalt  }
0x6e: {  	_ =	shalt  }
0x6f: {  	_ =	shalt  }
0x70: {  	_ =	shalt  }
0x71: {  	_ =	shalt  }
0x72: {  	_ =	shalt  }
0x73: {  	_ =	shalt  }
0x74: {  	_ =	shalt  }
0x75: {  	_ =	shalt  }
0x76: {  	_ =	shalt  }
0x77: {  	_ =	shalt  }
0x78: {  	_ =	shalt  }
0x79: {  	_ =	shalt  }
0x7a: {  	_ =	shalt  }
0x7b: {  	_ =	shalt  }
0x7c: {  	_ =	shalt  }
0x7d: {  	_ =	shalt  }
0x7e: {  	_ =	shalt  }
0x7f: {  	_ =	shalt  }
0x80: {  	_ =	shalt  }
0x81: {  	_ =	shalt  }
0x82: {  	_ =	shalt  }
0x83: {  	_ =	shalt  }
0x84: {  	_ =	shalt  }
0x85: {  	_ =	shalt  }
0x86: {  	_ =	shalt  }
0x87: {  	_ =	shalt  }
.Lfunc_end0:
.L_simem_size_0:
called_computation_lowered:
.L_overlay_start_0:
0x88: {  	s2 =	sld [smem:$0x3FD9]  }
0x89: {  	s3 =	sld [smem:$0x3FFE];
	_ =	sdelay $0x1  }
0x8a: {  	s1 =	srdreg.scid  }
0x8b: {  	s0 =	sand.u32 $0x1, s1  }
0x8c: {  	s17 =	sshll.u32 s0, $0xA;
	s2 =	sadd.s32 s3, s2  }
0x8d: {  	s2 =	sadd.s32 s2, s17  }
0x8e: {  	[smem:$0x3FBC] =	sst s2  }
0x8f: {  	_ = 	snop  }
0x90: {  	s2 =	sld [smem:$0x3FD0];
	(tm) =	ssettm $0x1  }
0x91: {  	s18 =	sld [smem:$0x3FFB];
	_ =	sdelay $0x3  }
0x92: {  	_ =	strace s18  }
0x93: {  	s3 =	sld [smem:$0x3FFC];
	_ =	sdelay $0x3  }
0x94: {  	_ =	strace s3  }
0x95: {  	s3 =	sld [smem:$0x3FFD];
	_ =	sdelay $0x3  }
0x96: {  	_ =	strace s3  }
0x97: {  	_ =	strace $0x8FFFFFFF  }
0x98: {  	s19 =	sld [smem:$0x3FDB];
	_ =	sdelay $0x1  }
0x99: {  	s4 =	simm.s32 $_scs_section_size  }
0x9a: {  	s5 =	simm.s32 $_size__tile_overlayer_lowered;
	s6 =	simm.s32 $_tile_overlayer_lowered  }
0x9b: {  	s22 =	simm.s32 $0x1BFF;
	s21 =	sshll.u32 s6, $0x1;
	s3 =	sadd.s32 s4, s19  }
0x9c: {  	s7 =	simm.s32 $0x0;
	s20 =	sshll.u32 s5, $0x1;
	s5 =	sadd.s32 s21, s3  }
0x9d: {  	[timem:s7], [sflag:s22] =	dma.local [hbm:s5], s20  }
0x9e: {  	_ =	swait.ge [sflag:s22], s20  }
0x9f: {  	s4 =	ssub.s32 $0x0, s20;
	[sflag:s22] =	ssyncset.done $0x0  }
0xa0: {  	[sflag:s22] =	ssyncadd.s32 s4;
	_ =	sdelay $0x1  }
0xa1: {  	s23 =	simm.s32 $0x1B8B  }
0xa2: {  	_ =	swait.ge [sflag:s23], $0x1  }
0xa3: {  	[sflag:s23] =	ssyncset.done $0x0  }
0xa4: {  	s25 =	simm.s32 $0x1B8E;
	s24 =	sld [smem:$0x3FFE];
	[sflag:s23] =	ssyncadd.s32 $0xFFFFFFFF  }
0xa5: {  	s26 =	simm.s32 $execute0_lowered;
	[smem:$0x3FD2] =	sst s25  }
0xa6: {  	s5 =	sshll.u32 s26, $0x1;
	_ =	strace $0x80000046;
	[dreg:$0x1] =	wrdreg $0xFFFFFFFF  }
0xa7: {  	s28 =	simm.s32 $_size_execute0_lowered;
	s3 =	sadd.s32 s3, s5;
	[dreg:$0x0] =	wrdreg $0x0  }
0xa8: {  	s5 =	sshll.u32 s28, $0x1;
	[dreg:$0x2] =	wrdreg s3  }
0xa9: {  	[dreg:$0x3] =	wrdreg s5  }
0xaa: {  	[dreg:$0x4] =	wrdreg $0xC0  }
0xab: {  	_ =	task [dreg:s7], $0x5FFFF  }
0xac: {  	[dreg:$0x1] =	wrdreg $0xFFFFFFFF  }
0xad: {  	[dreg:$0x0] =	wrdreg $0x60  }
0xae: {  	[dreg:$0x2] =	wrdreg s2  }
0xaf: {  	[dreg:$0x3] =	wrdreg s24  }
0xb0: {  	[dreg:$0x4] =	wrdreg $0x3800  }
0xb1: {  	[dreg:$0x5] =	wrdreg $0x9  }
0xb2: {  	_ =	task.clear_ibuf [dreg:s7], $0x6FFFF;
	_ =	strace $0x90000046  }
0xb3: {  	s29 =	simm.s32 $0x9;
	_ =	strace $0x80000048  }
0xb4: {  	_ =	swait.ge [sflag:s29], $0x1  }
0xb5: {  	[sflag:s29] =	ssyncadd.s32 $0xFFFFFFFF  }
0xb6: {  	_ =	strace $0x90000048  }
0xb7: {  	_ =	sfence  }
0xb8: {  	s30 =	sld [smem:$0x0];
	_ =	sdelay $0x2  }
0xb9: {  	s31 =	sshll.u32 s1, $0xD;
	s1 =	sshrl.u32 s1, $0x2  }
0xba: {  	s3 =	sand.u32 $0x4000, s31;
	s1 =	sadd.s32 s1, s30  }
0xbb: {  	s0 =	sor.u32 s3, s0;
	s1 =	sshll.u32 s1, $0x11  }
0xbc: {  	s0 =	sor.u32 s1, s0  }
0xbd: {  	s0 =	sadd.s32 $0x8F2B, s0  }
0xbe: {  	[sflag:s0] =	ssyncadd.remote.s32 $0x1  }
0xbf: {  	_ =	sfence.sel $0xFFFF  }
0xc0: {  	[dreg:$0x0] =	wrdreg $0xFFFFFFFF;
	(pc) =	sbr.abs _section_cstart, $3  }
0xc1: {  	[dreg:$0x1] =	wrdreg $0xFFFFFFFF  }
0xc2: {  	_ =	task.clear_ibuf [dreg:s7], $0x2FFFF;
	_ =	strace $0x9FFFFFFF  }
0xc3: {  	(tm) =	ssettm $0x7FFFFFFF  }
tec
execute0_lowered:
.L_overlay_start_1:
0x0: {  	(tag) =	ssettag $0x1  }
0x1: {  	s5 =	rddreg [dreg:$0x0]  }
0x2: {  	s4 =	rddreg [dreg:$0x1];
	s1 =	srdreg.scid  }
0x3: {  	s0 =	stileid.u32;
	s2 =	rddreg [dreg:$0x2];
	s3 =	simm.s32 $0x0  }
0x4: {  	s13 =	simm.s32 $0x20;
	s14 =	simm.s32 $0x10;
	s7 =	smul.u32 $0x500, s0  }
0x5: {  	s6 =	sand.u32 $0x1, s1;
	s1 =	rddreg [dreg:$0x3];
	s29 =	smul.u32 $0xA00, s0  }
0x6: {  	s15 =	simm.s32 $0x0;
	[smem:$0x7FF] =	sst s3;
	s10 =	smul.u32 $0x4F0, s0  }
0x7: {  	s11 =	sshll.u32 s0, $0x6;
	s8 =	sshll.u32 s6, $0x7;
	_ =	strace $0x80000047  }
0x8: {  	s30 =	ssub.s32 $0x2, s6;
	s6 =	smul.u32 $0x4F00, s6;
	s11 =	sor.u32 $0x1C01, s11  }
0x9: {  	s7 =	sor.u32 s8, s7;
	s9 =	sshrl.u32 s30, $0x1;
	s8 =	sshrl.u32 s29, $0x2  }
0xa: {  	s7 =	sshrl.u32 s7, $0x3;
	s9 =	ssub.s32 s30, s9;
	s31 =	sadd.s32 s6, s5  }
0xb: {  	s7 =	sadd.s32 s7, s4;
	s4 =	sadd.s32 s8, s2;
	s6 =	smax.u32 s9, $0x1  }
0xc: {  	s8 =	simm.s32 $0x100;
	s9 =	simm.s32 $0x1;
	s5 =	sadd.s32 $0x3C00, s7  }
0xd: {  	v0 =	vimm.f32 $1.000000000e+00;
	v1 =	vimm.f32 $0.0e+00;
	s7 =	sadd.s32 s10, s31;
	s10 =	simm.s32 $0x80;
	s12 =	sshrl.u32 s4, $0x3  }
.LBB2_1:
0xe: {  	[tilespmem:$0x80] =	vst v0  }
0xf: {  	[tilespmem:$0x90] =	vst v0  }
0x10: {  	[tilespmem:$0xA0] =	vst v0  }
0x11: {  	[tilespmem:$0xB0] =	vst v0  }
0x12: {  	[tilespmem:$0xC0] =	vst v0  }
0x13: {  	[tilespmem:$0xD0] =	vst v0  }
0x14: {  	[tilespmem:$0xE0] =	vst v0  }
0x15: {  	[tilespmem:$0xF0] =	vst v0  }
0x16: {  	[tilespmem:$0x100] =	vst v1  }
0x17: {  	[tilespmem:$0x110] =	vst v1  }
0x18: {  	[tilespmem:$0x120] =	vst v1  }
0x19: {  	[tilespmem:$0x130] =	vst v1  }
0x1a: {  	[tilespmem:$0x140] =	vst v1  }
0x1b: {  	[tilespmem:$0x150] =	vst v1  }
0x1c: {  	[tilespmem:$0x160] =	vst v1  }
0x1d: {  	[tilespmem:$0x170] =	vst v1  }
0x1e: {  	[tilespmem:$0x180] =	vst v1  }
0x1f: {  	[tilespmem:$0x190] =	vst v1  }
0x20: {  	[tilespmem:$0x1A0] =	vst v1  }
0x21: {  	[tilespmem:$0x1B0] =	vst v1  }
0x22: {  	[tilespmem:$0x1C0] =	vst v1  }
0x23: {  	[tilespmem:$0x1D0] =	vst v1  }
0x24: {  	[tilespmem:$0x1E0] =	vst v1  }
0x25: {  	[tilespmem:$0x1F0] =	vst v1  }
0x26: {  	[tilespmem:$0x200] =	vst v1  }
0x27: {  	[tilespmem:$0x210] =	vst v1  }
0x28: {  	[tilespmem:$0x220] =	vst v1  }
0x29: {  	[tilespmem:$0x230] =	vst v1  }
0x2a: {  	[tilespmem:$0x240] =	vst v1  }
0x2b: {  	[tilespmem:$0x250] =	vst v1  }
0x2c: {  	[tilespmem:$0x260] =	vst v1  }
0x2d: {  	[tilespmem:$0x270] =	vst v1  }
0x2e: {  	[tilespmem:$0x280] =	vst v1  }
0x2f: {  	[tilespmem:$0x290] =	vst v1  }
0x30: {  	[tilespmem:$0x2A0] =	vst v1  }
0x31: {  	[tilespmem:$0x2B0] =	vst v1  }
0x32: {  	[tilespmem:$0x2C0] =	vst v1  }
0x33: {  	[tilespmem:$0x2D0] =	vst v1  }
0x34: {  	[tilespmem:$0x2E0] =	vst v1  }
0x35: {  	[tilespmem:$0x2F0] =	vst v1  }
0x36: {  	[tilespmem:$0x300] =	vst v1  }
0x37: {  	[tilespmem:$0x310] =	vst v1  }
0x38: {  	[tilespmem:$0x320] =	vst v1  }
0x39: {  	[tilespmem:$0x330] =	vst v1  }
0x3a: {  	[tilespmem:$0x340] =	vst v1  }
0x3b: {  	[tilespmem:$0x350] =	vst v1  }
0x3c: {  	[tilespmem:$0x360] =	vst v1  }
0x3d: {  	[tilespmem:$0x370] =	vst v1  }
0x3e: {  	[spmem:s4] =	stream.linear.scatter [tilespmem:s8], [sflag:$0x1], $0x280, $0x38;
	[tilespmem:$0x600] =	vst v63  }
0x3f: {  	_ =	swait.ge [sflag:s9], $0x280  }
0x40: {  	[sflag:s9] =	ssyncset.done $0x0  }
0x41: {  	[sflag:s9] =	ssyncadd.s32 $0xFFFFFD80  }
0x42: {  	s16 =	sadd.s32 $0x0, s7;
	[bflag:$0x0] =	sbarrier.arrive $0xFFFF  }
0x43: {  	[tilespmem:s3], [sflag:$0x1] =	stream.linear.gather [hbm4b:s16+s3], $0x80, $0x38;
	[tilespmem:$0x600] =	vst v63  }
0x44: {  	_ =	swait.ge [sflag:s9], $0x80  }
0x45: {  	[sflag:s9] =	ssyncset.done $0x0  }
0x46: {  	[sflag:s9] =	ssyncadd.s32 $0xFFFFFF80  }
0x47: {  	[spmem:s2] =	stream.indirect.scatter.add.f32 [tilespmem:s10], [sflag:$0x1], $0x1, s3, s10, $0xb8;
	[tilespmem:$0x600] =	vst v63  }
0x48: {  	_ =	swait.ge [sflag:s9], $0x80  }
0x49: {  	s17 =	simm.s32 $0x20;
	s16 =	simm.s32 $0x10;
	[sflag:s9] =	ssyncset.done $0x0  }
.LBB2_2:
0x4a: {  	s18 =	sadd.s32 s16, s7  }
0x4b: {  	[sflag:s9] =	ssyncadd.s32 $0xFFFFFF80;
	s16 =	smov.u32 s17;
	s19 =	sadd.s32 $0x10, s17  }
0x4c: {  	[tilespmem:s3], [sflag:$0x1] =	stream.linear.gather [hbm4b:s18+s3], $0x80, $0x38;
	[tilespmem:$0x600] =	vst v63  }
0x4d: {  	p0 =	sne.s32 s17, $0x4E0;
	_ =	swait.ge [sflag:s9], $0x80  }
.Ltmp0:
0x4e: {  	[sflag:s9] =	ssyncset.done $0x0;
	(pc) =	sbr.rel @p0 .LBB2_2-.Ltmp0, $4  }
0x4f: {  	[sflag:s9] =	ssyncadd.s32 $0xFFFFFF80  }
0x50: {  	[spmem:s2] =	stream.indirect.scatter.add.f32 [tilespmem:s10], [sflag:$0x1], $0x1, s3, s10, $0xb8;
	[tilespmem:$0x600] =	vst v63  }
0x51: {  	_ =	swait.ge [sflag:s9], $0x80  }
0x52: {  	s17 =	smov.u32 s19;
	[sflag:s9] =	ssyncset.done $0x0  }
0x53: {  	s16 =	sadd.s32 s16, s7;
	[sflag:s9] =	ssyncadd.s32 $0xFFFFFF80  }
0x54: {  	[tilespmem:s3], [sflag:$0x1] =	stream.linear.gather [hbm4b:s16+s3], $0x80, $0x38;
	[tilespmem:$0x600] =	vst v63  }
0x55: {  	_ =	swait.ge [sflag:s9], $0x80  }
0x56: {  	[sflag:s9] =	ssyncset.done $0x0  }
0x57: {  	[sflag:s9] =	ssyncadd.s32 $0xFFFFFF80  }
0x58: {  	[spmem:s2] =	stream.indirect.scatter.add.f32 [tilespmem:s10], [sflag:$0x1], $0x1, s3, s10, $0xb8;
	[tilespmem:$0x600] =	vst v63  }
0x59: {  	_ =	swait.ge [sflag:s9], $0x80  }
0x5a: {  	s15 =	sadd.s32 $0x1, s15;
	[sflag:s9] =	ssyncset.done $0x0  }
0x5b: {  	p0 =	sne.s32 s15, s6;
	[sflag:s9] =	ssyncadd.s32 $0xFFFFFF80  }
.Ltmp1:
0x5c: {  	[bflag:$0x0] =	sbarrier.arrive $0xFFFF;
	(pc) =	sbr.rel @p0 .LBB2_1-.Ltmp1, $4  }
0x5d: {  	[hbm:s5@s13], [sflag:s11] =	dma.strided [spmem:s12@s14], $0x50, s9, $0x10   }
0x5e: {  	_ =	swait.ge [sflag:s9], $0x50  }
0x5f: {  	[sflag:s9] =	ssyncset.done $0x0  }
0x60: {  	[sflag:s9] =	ssyncadd.s32 $0xFFFFFFB0  }
0x61: {  	_ =	sfence.sel $0x180000  }
0x62: {  	[bflag:$0x0] =	sbarrier.arrive $0xFFFF  }
0x63: {  	p0 =	sne.s32 s0, $0x0;
	_ =	strace $0x90000047  }
0x64: {  	s0 =	sadd.s32 @!p0 $0x100000, s1;
	[bflag:$0x2] =	sbarrier.arrive $0xFFFF  }
0x65: {  	[sflag:s0] =	ssyncadd.tile.s32 @!p0 $0x1;
	_ =	shalt  }
.Lfunc_end2:
_tile_overlayer_lowered:
.L_overlay_start_2:
0x66: {  	(tag) =	ssettag $0x2  }
0x67: {  	s0 =	rddreg [dreg:$0x0];
	s2 =	stileid.u32  }
0x68: {  	s1 =	rddreg [dreg:$0x1];
	p0 =	sne.s32 s2, $0x0  }
0x69: {  	s3 =	rddreg [dreg:$0x2];
	[bflag:$0x3] =	sbarrier.arrive $0xFFFF;
	s2 =	simm.s32 @!p0 $0x1C01  }
0x6a: {  	[timem:s3], [sflag:s2] =	dma.local @!p0 [hbm:s0], s1  }
0x6b: {  	s0 =	simm.s32 @!p0 $0x1  }
0x6c: {  	_ =	swait.ge @!p0 [sflag:s0], s1  }
0x6d: {  	s1 =	ssub.s32 @!p0 $0x0, s1;
	[sflag:s0] =	ssyncset.done @!p0 $0x0  }
0x6e: {  	[sflag:s0] =	ssyncadd.s32 @!p0 s1  }
0x6f: {  	[bflag:$0x3] =	sbarrier.arrive $0xFFFF  }
0x70: {  	_ =	shalt  }

// kernel: kernel.13.cloned.1.call-start
scs
__scs_entry_jumppad:
0x0: {  	(pc) =	sbr.rel $0x88, $3  }
0x1: {  	(tag) =	ssettag $0x0;
	lr =	simm.s32 $0x1  }
0x2: {  	[smem:$0x3F95] =	sst lr;
	_ =	strace $0xD0000000  }
0x3: {  	_ = 	snop  }
0x4: {  	_ = 	snop  }
0x5: {  	_ = 	snop  }
0x6: {  	_ = 	snop  }
0x7: {  	_ = 	snop  }
__scs_overlays_trampoline_lowered:
0x8: {  	[smem:$0x3FA4] =	sst s0  }
0x9: {  	[smem:$0x3FA5] =	sst s1  }
0xa: {  	[smem:$0x3FA6] =	sst s2  }
0xb: {  	[smem:$0x3FA7] =	sst s3  }
0xc: {  	[smem:$0x3FA8] =	sst s4  }
0xd: {  	[smem:$0x3FA9] =	sst s5  }
0xe: {  	[smem:$0x3FAA] =	sst s6  }
0xf: {  	[smem:$0x3FAB] =	sst s7  }
0x10: {  	[smem:$0x3FAC] =	sst s8  }
0x11: {  	[smem:$0x3FAD] =	sst s9;
	s0 =	simm.s32 @!p0 $0x0  }
0x12: {  	s1 =	sld [smem:$0x3F93];
	s0 =	simm.s32 @p0 $0x1  }
0x13: {  	[smem:$0x3FAE] =	sst s0;
	s0 =	simm.s32 @!p1 $0x0  }
0x14: {  	s2 =	sld [smem:$0x3F92];
	s0 =	simm.s32 @p1 $0x1  }
0x15: {  	[smem:$0x3FAF] =	sst s0;
	s0 =	simm.s32 @!p2 $0x0  }
0x16: {  	s3 =	sld [smem:$0x3FDB];
	s0 =	simm.s32 @p2 $0x1  }
0x17: {  	s4 =	simm.s32 $0x1BF5;
	[smem:$0x3FB1] =	sst s0  }
0x18: {  	s0 =	sld [smem:$0x3F94];
	_ =	swait.ge [sflag:s4], $0x0  }
0x19: {  	s7 =	sld [smem:$0x3F95]  }
0x1a: {  	s8 =	sadd.s32 $0xFFFFE003, lr  }
0x1b: {  	s9 =	sadd.s32 $0xFFFFFEF7, lr;
	s5 =	simm.s32 $0xFFFFFFFF;
	p2 =	slt.u32 s8, $0xFFFFF086  }
0x1c: {  	p1 =	slt.u32 s9, $0xF7A;
	s5 =	simm.s32 @!p2 $0x0  }
0x1d: {  	s5 =	simm.s32 @p1 $0x1;
	p0 =	seq.s32 s7, s2  }
0x1e: {  	s7 =	smul.u32 @!p0 $0xF7A, s2;
	p2 =	seq.s32 @!p0 s5, $0x0  }
0x1f: {  	s9 =	smul.u32 $0xF7A, s1;
	s8 =	simm.s32 @!p0 $0x1BF5;
	p2 =	por !p2, p0  }
0x20: {  	[sflag:s8] =	ssyncset.s32 @!p0 $0xFFFFF086;
	s6 =	sadd.s32 @!p0 s3, s7;
	s7 =	simm.s32 @!p0 $0x108  }
0x21: {  	s3 =	sadd.s32 s3, s9;
	s6 =	sadd.s32 @!p0 $0x88, s6;
	s7 =	simm.s32 @p2 $0x1082  }
0x22: {  	[simem:s7], [sflag:s8] =	dma.local @!p0 [hbm:s6], $0xF7A  }
0x23: {  	s9 =	sor.u32 $0xD0000000, s2;
	s6 =	simm.s32 $0x108;
	_ =	swait.ge @!p0 [sflag:s8], $0x0  }
0x24: {  	s3 =	sadd.s32 $0x88, s3;
	s6 =	simm.s32 @!p1 $0x1082;
	[sflag:s4] =	ssyncset.s32 $0xFFFFF086  }
0x25: {  	[simem:s6], [sflag:s4] =	dma.local [hbm:s3], $0xF7A  }
0x26: {  	[smem:$0x3F95] =	sst s1;
	(tag) =	ssettag s2;
	_ =	strace s9  }
0x27: {  	s1 =	sld [smem:$0x3FA5]  }
0x28: {  	s2 =	sld [smem:$0x3FA6]  }
0x29: {  	s4 =	sld [smem:$0x3FA8]  }
0x2a: {  	p0 =	seq.s32 s5, $0x0;
	s5 =	sld [smem:$0x3FA9]  }
0x2b: {  	s6 =	sld [smem:$0x3FAA]  }
0x2c: {  	s7 =	sld [smem:$0x3FAB]  }
0x2d: {  	s3 =	simm.s32 $0x108;
	s8 =	sld [smem:$0x3FAC]  }
0x2e: {  	s3 =	simm.s32 @!p0 $0x1082;
	s9 =	sld [smem:$0x3FAD]  }
0x2f: {  	lr =	sadd.s32 s0, s3;
	s0 =	sld [smem:$0x3FA4]  }
0x30: {  	s3 =	sld [smem:$0x3FA7]  }
0x31: {  	[smem:$0x3FB0] =	sst s10  }
0x32: {  	s10 =	sld [smem:$0x3FAE];
	_ =	sdelay $0x3  }
0x33: {  	p0 =	seq.s32 s10, $0x1;
	s10 =	sld [smem:$0x3FB0];
	_ =	sdelay $0x3  }
0x34: {  	[smem:$0x3FB0] =	sst s10  }
0x35: {  	s10 =	sld [smem:$0x3FAF];
	_ =	sdelay $0x3  }
0x36: {  	p1 =	seq.s32 s10, $0x1;
	s10 =	sld [smem:$0x3FB0];
	_ =	sdelay $0x3  }
0x37: {  	[smem:$0x3FB0] =	sst s10  }
0x38: {  	s10 =	sld [smem:$0x3FB1]  }
0x39: {  	_ = 	snop;
	(pc) =	sbr.ind lr, $3  }
0x3a: {  	_ = 	snop  }
0x3b: {  	_ = 	snop  }
0x3c: {  	p2 =	seq.s32 s10, $0x1;
	s10 =	sld [smem:$0x3FB0]  }
0x3d: {  	_ =	shalt  }
0x3e: {  	_ =	shalt  }
0x3f: {  	_ =	shalt  }
0x40: {  	_ =	shalt  }
0x41: {  	_ =	shalt  }
0x42: {  	_ =	shalt  }
0x43: {  	_ =	shalt  }
0x44: {  	_ =	shalt  }
0x45: {  	_ =	shalt  }
0x46: {  	_ =	shalt  }
0x47: {  	_ =	shalt  }
0x48: {  	_ =	shalt  }
0x49: {  	_ =	shalt  }
0x4a: {  	_ =	shalt  }
0x4b: {  	_ =	shalt  }
0x4c: {  	_ =	shalt  }
0x4d: {  	_ =	shalt  }
0x4e: {  	_ =	shalt  }
0x4f: {  	_ =	shalt  }
0x50: {  	_ =	shalt  }
0x51: {  	_ =	shalt  }
0x52: {  	_ =	shalt  }
0x53: {  	_ =	shalt  }
0x54: {  	_ =	shalt  }
0x55: {  	_ =	shalt  }
0x56: {  	_ =	shalt  }
0x57: {  	_ =	shalt  }
0x58: {  	_ =	shalt  }
0x59: {  	_ =	shalt  }
0x5a: {  	_ =	shalt  }
0x5b: {  	_ =	shalt  }
0x5c: {  	_ =	shalt  }
0x5d: {  	_ =	shalt  }
0x5e: {  	_ =	shalt  }
0x5f: {  	_ =	shalt  }
0x60: {  	_ =	shalt  }
0x61: {  	_ =	shalt  }
0x62: {  	_ =	shalt  }
0x63: {  	_ =	shalt  }
0x64: {  	_ =	shalt  }
0x65: {  	_ =	shalt  }
0x66: {  	_ =	shalt  }
0x67: {  	_ =	shalt  }
0x68: {  	_ =	shalt  }
0x69: {  	_ =	shalt  }
0x6a: {  	_ =	shalt  }
0x6b: {  	_ =	shalt  }
0x6c: {  	_ =	shalt  }
0x6d: {  	_ =	shalt  }
0x6e: {  	_ =	shalt  }
0x6f: {  	_ =	shalt  }
0x70: {  	_ =	shalt  }
0x71: {  	_ =	shalt  }
0x72: {  	_ =	shalt  }
0x73: {  	_ =	shalt  }
0x74: {  	_ =	shalt  }
0x75: {  	_ =	shalt  }
0x76: {  	_ =	shalt  }
0x77: {  	_ =	shalt  }
0x78: {  	_ =	shalt  }
0x79: {  	_ =	shalt  }
0x7a: {  	_ =	shalt  }
0x7b: {  	_ =	shalt  }
0x7c: {  	_ =	shalt  }
0x7d: {  	_ =	shalt  }
0x7e: {  	_ =	shalt  }
0x7f: {  	_ =	shalt  }
0x80: {  	_ =	shalt  }
0x81: {  	_ =	shalt  }
0x82: {  	_ =	shalt  }
0x83: {  	_ =	shalt  }
0x84: {  	_ =	shalt  }
0x85: {  	_ =	shalt  }
0x86: {  	_ =	shalt  }
0x87: {  	_ =	shalt  }
.Lfunc_end0:
.L_simem_size_0:
called_computation.1_lowered:
.L_overlay_start_0:
0x88: {  	s2 =	sld [smem:$0x3FD9]  }
0x89: {  	s3 =	sld [smem:$0x3FFE];
	_ =	sdelay $0x1  }
0x8a: {  	s1 =	srdreg.scid  }
0x8b: {  	s0 =	sand.u32 $0x1, s1  }
0x8c: {  	s17 =	sshll.u32 s0, $0xA;
	s2 =	sadd.s32 s3, s2  }
0x8d: {  	s2 =	sadd.s32 s2, s17  }
0x8e: {  	[smem:$0x3FBC] =	sst s2  }
0x8f: {  	_ = 	snop  }
0x90: {  	s2 =	sld [smem:$0x3FD0];
	(tm) =	ssettm $0x1  }
0x91: {  	s18 =	sld [smem:$0x3FFB];
	_ =	sdelay $0x3  }
0x92: {  	_ =	strace s18  }
0x93: {  	s3 =	sld [smem:$0x3FFC];
	_ =	sdelay $0x3  }
0x94: {  	_ =	strace s3  }
0x95: {  	s3 =	sld [smem:$0x3FFD];
	_ =	sdelay $0x3  }
0x96: {  	_ =	strace s3  }
0x97: {  	_ =	strace $0x8FFFFFFF  }
0x98: {  	s19 =	sld [smem:$0x3FDB];
	_ =	sdelay $0x1  }
0x99: {  	s4 =	simm.s32 $_scs_section_size  }
0x9a: {  	s5 =	simm.s32 $_size__tile_overlayer_lowered;
	s6 =	simm.s32 $_tile_overlayer_lowered  }
0x9b: {  	s22 =	simm.s32 $0x1BFF;
	s21 =	sshll.u32 s6, $0x1;
	s3 =	sadd.s32 s4, s19  }
0x9c: {  	s7 =	simm.s32 $0x0;
	s20 =	sshll.u32 s5, $0x1;
	s5 =	sadd.s32 s21, s3  }
0x9d: {  	[timem:s7], [sflag:s22] =	dma.local [hbm:s5], s20  }
0x9e: {  	_ =	swait.ge [sflag:s22], s20  }
0x9f: {  	s4 =	ssub.s32 $0x0, s20;
	[sflag:s22] =	ssyncset.done $0x0  }
0xa0: {  	[sflag:s22] =	ssyncadd.s32 s4;
	_ =	sdelay $0x1  }
0xa1: {  	s23 =	simm.s32 $0x1B8B  }
0xa2: {  	_ =	swait.ge [sflag:s23], $0x1  }
0xa3: {  	[sflag:s23] =	ssyncset.done $0x0  }
0xa4: {  	s25 =	simm.s32 $0x1B8E;
	s24 =	sld [smem:$0x3FFE];
	[sflag:s23] =	ssyncadd.s32 $0xFFFFFFFF  }
0xa5: {  	s26 =	simm.s32 $execute0_lowered;
	[smem:$0x3FD2] =	sst s25  }
0xa6: {  	s5 =	sshll.u32 s26, $0x1;
	_ =	strace $0x80000049;
	[dreg:$0x1] =	wrdreg $0xFFFFFFFF  }
0xa7: {  	s28 =	simm.s32 $_size_execute0_lowered;
	s3 =	sadd.s32 s3, s5;
	[dreg:$0x0] =	wrdreg $0x0  }
0xa8: {  	s5 =	sshll.u32 s28, $0x1;
	[dreg:$0x2] =	wrdreg s3  }
0xa9: {  	[dreg:$0x3] =	wrdreg s5  }
0xaa: {  	[dreg:$0x4] =	wrdreg $0xC0  }
0xab: {  	_ =	task [dreg:s7], $0x5FFFF  }
0xac: {  	[dreg:$0x1] =	wrdreg $0xFFFFFFFF  }
0xad: {  	[dreg:$0x0] =	wrdreg $0x60  }
0xae: {  	[dreg:$0x2] =	wrdreg s24  }
0xaf: {  	[dreg:$0x3] =	wrdreg s2  }
0xb0: {  	[dreg:$0x4] =	wrdreg $0x49000  }
0xb1: {  	[dreg:$0x5] =	wrdreg $0x9  }
0xb2: {  	_ =	task.clear_ibuf [dreg:s7], $0x6FFFF;
	_ =	strace $0x90000049  }
0xb3: {  	s29 =	simm.s32 $0x9;
	_ =	strace $0x8000004B  }
0xb4: {  	_ =	swait.ge [sflag:s29], $0x1  }
0xb5: {  	[sflag:s29] =	ssyncadd.s32 $0xFFFFFFFF  }
0xb6: {  	_ =	strace $0x9000004B  }
0xb7: {  	_ =	sfence  }
0xb8: {  	s30 =	sld [smem:$0x0];
	_ =	sdelay $0x2  }
0xb9: {  	s31 =	sshll.u32 s1, $0xD;
	s1 =	sshrl.u32 s1, $0x2  }
0xba: {  	s3 =	sand.u32 $0x4000, s31;
	s1 =	sadd.s32 s1, s30  }
0xbb: {  	s0 =	sor.u32 s3, s0;
	s1 =	sshll.u32 s1, $0x11  }
0xbc: {  	s0 =	sor.u32 s1, s0  }
0xbd: {  	s0 =	sadd.s32 $0x8F2B, s0  }
0xbe: {  	[sflag:s0] =	ssyncadd.remote.s32 $0x1  }
0xbf: {  	_ =	sfence.sel $0xFFFF  }
0xc0: {  	[dreg:$0x0] =	wrdreg $0xFFFFFFFF;
	(pc) =	sbr.abs _section_cstart, $3  }
0xc1: {  	[dreg:$0x1] =	wrdreg $0xFFFFFFFF  }
0xc2: {  	_ =	task.clear_ibuf [dreg:s7], $0x2FFFF;
	_ =	strace $0x9FFFFFFF  }
0xc3: {  	(tm) =	ssettm $0x7FFFFFFF  }
tec
execute0_lowered:
.L_overlay_start_1:
0x0: {  	(tag) =	ssettag $0x1  }
0x1: {  	s5 =	rddreg [dreg:$0x0]  }
0x2: {  	s7 =	rddreg [dreg:$0x1]  }
0x3: {  	s1 =	rddreg [dreg:$0x2];
	s2 =	srdreg.scid  }
0x4: {  	s0 =	rddreg [dreg:$0x3];
	s3 =	simm.s32 $0x0;
	s6 =	sand.u32 $0x1, s2  }
0x5: {  	s14 =	simm.s32 $0x1;
	s2 =	stileid.u32;
	s8 =	smul.u32 $0x140000, s6  }
0x6: {  	s17 =	simm.s32 $0x0;
	[smem:$0x7FF] =	sst s3;
	s9 =	smul.u32 $0x14000, s2  }
0x7: {  	s4 =	sadd.s32 $0xE400, s5;
	_ =	strace $0x8000004A;
	s10 =	smul.u32 $0x4F00, s6  }
0x8: {  	s29 =	smul.u32 $0x50000, s2;
	s6 =	ssub.s32 $0x2, s6;
	s15 =	sshll.u32 s2, $0x6  }
0x9: {  	s13 =	smul.u32 $0x4F0, s2;
	s12 =	sshrl.u32 s6, $0x1;
	s15 =	sor.u32 $0x1C02, s15  }
0xa: {  	s8 =	sadd.s32 s9, s8;
	s11 =	sadd.s32 s10, s5;
	s9 =	sshrl.u32 s29, $0x2  }
0xb: {  	s12 =	ssub.s32 s6, s12;
	s30 =	sadd.s32 s10, s7;
	s10 =	simm.s32 $0x4100  }
0xc: {  	s8 =	sshrl.u32 s8, $0x3;
	s31 =	sadd.s32 s13, s11;
	s7 =	smax.u32 s12, $0x1  }
0xd: {  	s11 =	simm.s32 $0x2;
	s12 =	simm.s32 $0x80;
	s8 =	sadd.s32 s8, s5  }
0xe: {  	s5 =	sadd.s32 s9, s1;
	s9 =	sadd.s32 $0x4600, s31;
	s6 =	sadd.s32 $0x36400, s8  }
0xf: {  	v0 =	vimm.f32 $0.0e+00;
	s8 =	sadd.s32 s13, s30;
	s13 =	simm.s32 $0x100;
	s16 =	sshrl.u32 s5, $0x3  }
.LBB2_1:
0x10: {  	s18 =	simm.s32 $0x0;
	s19 =	simm.s32 $0x0  }
.LBB2_2:
0x11: {  	p0 =	sne.s32 s19, $0x1FC0  }
.Ltmp0:
0x12: {  	_ = 	snop;
	(pc) =	sbr.rel @p0 .LBB2_2-.Ltmp0, $4  }
0x13: {  	s20 =	sand.u32 $0x1E00, s19  }
0x14: {  	s21 =	sand.u32 $0x70, s18;
	s20 =	sshrl.u32 s20, $0x2  }
0x15: {  	s20 =	sor.u32 s21, s20  }
0x16: {  	s18 =	sadd.s32 $0x10, s18;
	s19 =	sadd.s32 $0x40, s19;
	[tilespmem:s20+$0x4100] =	vst v0  }
0x17: {  	s18 =	sadd.s32 $0x0, s5  }
0x18: {  	[spmem:s18] =	stream.linear.scatter [tilespmem:s10], [sflag:$0x2], $0x800, $0x38;
	[tilespmem:$0x18900] =	vst v63  }
0x19: {  	s18 =	simm.s32 $0x2000;
	_ =	swait.ge [sflag:s11], $0x800  }
.LBB2_4:
0x1a: {  	s19 =	sshra.s32 s18, $0x2;
	[sflag:s11] =	ssyncset.done $0x0;
	p0 =	sne.s32 s18, $0x4E000  }
.Ltmp1:
0x1b: {  	s19 =	sadd.s32 s19, s5;
	[sflag:s11] =	ssyncadd.s32 $0xFFFFF800;
	(pc) =	sbr.rel @p0 .LBB2_4-.Ltmp1, $3  }
0x1c: {  	[spmem:s19] =	stream.linear.scatter [tilespmem:s10], [sflag:$0x2], $0x800, $0x38;
	[tilespmem:$0x18900] =	vst v63  }
0x1d: {  	s18 =	sadd.s32 $0x2000, s18;
	_ =	sdelay $0x1  }
0x1e: {  	_ =	swait.ge [sflag:s11], $0x800  }
0x1f: {  	[sflag:s11] =	ssyncset.done $0x0  }
0x20: {  	[sflag:s11] =	ssyncadd.s32 $0xFFFFF800  }
0x21: {  	s18 =	sadd.s32 $0x0, s9;
	[bflag:$0x0] =	sbarrier.arrive $0xFFFF  }
0x22: {  	[tilespmem:s3], [sflag:$0x2] =	stream.linear.gather [hbm4b:s18+s3], $0x80, $0x38;
	[tilespmem:$0x18900] =	vst v63  }
0x23: {  	_ =	swait.ge [sflag:s11], $0x80  }
0x24: {  	[sflag:s11] =	ssyncset.done $0x0  }
0x25: {  	s31 =	sadd.s32 $0x0, s8;
	[sflag:s11] =	ssyncadd.s32 $0xFFFFFF80  }
0x26: {  	[tilespmem:s12], [sflag:$0x2] =	stream.linear.gather [hbm4b:s31+s3], $0x80, $0x38;
	[tilespmem:$0x18900] =	vst v63  }
0x27: {  	_ =	swait.ge [sflag:s11], $0x80  }
0x28: {  	[sflag:s11] =	ssyncset.done $0x0  }
0x29: {  	[sflag:s11] =	ssyncadd.s32 $0xFFFFFF80  }
0x2a: {  	[tilespmem:s13], [sflag:$0x1] =	stream.indirect.gather [hbm4b:s4+s12], $0x80, s3, s12, $0xb8;
	[tilespmem:$0x18900] =	vst v63  }
0x2b: {  	_ =	swait.ge [sflag:s14], $0x4000  }
0x2c: {  	[sflag:s14] =	ssyncset.done $0x0  }
0x2d: {  	[sflag:s14] =	ssyncadd.s32 $0xFFFFC000  }
0x2e: {  	[spmem:s1] =	stream.indirect.scatter.add.f32 [tilespmem:s13], [sflag:$0x2], $0x80, s12, s12, $0xb8;
	[tilespmem:$0x18900] =	vst v63  }
0x2f: {  	_ =	swait.ge [sflag:s11], $0x4000  }
0x30: {  	s19 =	simm.s32 $0x20;
	s18 =	simm.s32 $0x10;
	[sflag:s11] =	ssyncset.done $0x0  }
.LBB2_6:
0x31: {  	s20 =	sadd.s32 s18, s9  }
0x32: {  	[sflag:s11] =	ssyncadd.s32 $0xFFFFC000;
	s21 =	smov.u32 s19;
	s22 =	sadd.s32 $0x10, s19  }
0x33: {  	[tilespmem:s3], [sflag:$0x2] =	stream.linear.gather [hbm4b:s20+s3], $0x80, $0x38;
	[tilespmem:$0x18900] =	vst v63  }
0x34: {  	p0 =	sne.s32 s19, $0x4E0;
	_ =	swait.ge [sflag:s11], $0x80  }
0x35: {  	[sflag:s11] =	ssyncset.done $0x0  }
0x36: {  	s19 =	sadd.s32 s18, s8;
	s18 =	smov.u32 s21;
	[sflag:s11] =	ssyncadd.s32 $0xFFFFFF80  }
0x37: {  	[tilespmem:s12], [sflag:$0x2] =	stream.linear.gather [hbm4b:s19+s3], $0x80, $0x38;
	[tilespmem:$0x18900] =	vst v63  }
0x38: {  	_ =	swait.ge [sflag:s11], $0x80  }
0x39: {  	[sflag:s11] =	ssyncset.done $0x0  }
0x3a: {  	[sflag:s11] =	ssyncadd.s32 $0xFFFFFF80  }
0x3b: {  	[tilespmem:s13], [sflag:$0x1] =	stream.indirect.gather [hbm4b:s4+s12], $0x80, s3, s12, $0xb8;
	[tilespmem:$0x18900] =	vst v63  }
0x3c: {  	_ =	swait.ge [sflag:s14], $0x4000  }
.Ltmp2:
0x3d: {  	[sflag:s14] =	ssyncset.done $0x0;
	(pc) =	sbr.rel @p0 .LBB2_6-.Ltmp2, $4  }
0x3e: {  	[sflag:s14] =	ssyncadd.s32 $0xFFFFC000  }
0x3f: {  	[spmem:s1] =	stream.indirect.scatter.add.f32 [tilespmem:s13], [sflag:$0x2], $0x80, s12, s12, $0xb8;
	[tilespmem:$0x18900] =	vst v63  }
0x40: {  	_ =	swait.ge [sflag:s11], $0x4000  }
0x41: {  	s19 =	smov.u32 s22;
	[sflag:s11] =	ssyncset.done $0x0  }
0x42: {  	s19 =	sadd.s32 s18, s9;
	[sflag:s11] =	ssyncadd.s32 $0xFFFFC000  }
0x43: {  	[tilespmem:s3], [sflag:$0x2] =	stream.linear.gather [hbm4b:s19+s3], $0x80, $0x38;
	[tilespmem:$0x18900] =	vst v63  }
0x44: {  	_ =	swait.ge [sflag:s11], $0x80  }
0x45: {  	[sflag:s11] =	ssyncset.done $0x0  }
0x46: {  	s31 =	sadd.s32 s18, s8;
	[sflag:s11] =	ssyncadd.s32 $0xFFFFFF80  }
0x47: {  	[tilespmem:s12], [sflag:$0x2] =	stream.linear.gather [hbm4b:s31+s3], $0x80, $0x38;
	[tilespmem:$0x18900] =	vst v63  }
0x48: {  	_ =	swait.ge [sflag:s11], $0x80  }
0x49: {  	[sflag:s11] =	ssyncset.done $0x0  }
0x4a: {  	[sflag:s11] =	ssyncadd.s32 $0xFFFFFF80  }
0x4b: {  	[tilespmem:s13], [sflag:$0x1] =	stream.indirect.gather [hbm4b:s4+s12], $0x80, s3, s12, $0xb8;
	[tilespmem:$0x18900] =	vst v63  }
0x4c: {  	_ =	swait.ge [sflag:s14], $0x4000  }
0x4d: {  	[sflag:s14] =	ssyncset.done $0x0  }
0x4e: {  	[sflag:s14] =	ssyncadd.s32 $0xFFFFC000  }
0x4f: {  	[spmem:s1] =	stream.indirect.scatter.add.f32 [tilespmem:s13], [sflag:$0x2], $0x80, s12, s12, $0xb8;
	[tilespmem:$0x18900] =	vst v63  }
0x50: {  	_ =	swait.ge [sflag:s11], $0x4000  }
0x51: {  	s17 =	sadd.s32 $0x1, s17;
	[sflag:s11] =	ssyncset.done $0x0  }
0x52: {  	p0 =	sne.s32 s17, s7;
	[sflag:s11] =	ssyncadd.s32 $0xFFFFC000  }
.Ltmp3:
0x53: {  	[bflag:$0x0] =	sbarrier.arrive $0xFFFF;
	(pc) =	sbr.rel @p0 .LBB2_1-.Ltmp3, $4  }
0x54: {  	[hbm:s6], [sflag:s15] =	dma.local [spmem:s16], $0x2800  }
0x55: {  	_ =	swait.ge [sflag:s11], $0x2800  }
0x56: {  	[sflag:s11] =	ssyncset.done $0x0  }
0x57: {  	[sflag:s11] =	ssyncadd.s32 $0xFFFFD800  }
0x58: {  	_ =	sfence.sel $0x180000  }
0x59: {  	[bflag:$0x0] =	sbarrier.arrive $0xFFFF  }
0x5a: {  	p0 =	sne.s32 s2, $0x0;
	_ =	strace $0x9000004A  }
0x5b: {  	s0 =	sadd.s32 @!p0 $0x100000, s0;
	[bflag:$0x2] =	sbarrier.arrive $0xFFFF  }
0x5c: {  	[sflag:s0] =	ssyncadd.tile.s32 @!p0 $0x1;
	_ =	shalt  }
.Lfunc_end2:
_tile_overlayer_lowered:
.L_overlay_start_2:
0x5d: {  	(tag) =	ssettag $0x2  }
0x5e: {  	s0 =	rddreg [dreg:$0x0];
	s2 =	stileid.u32  }
0x5f: {  	s1 =	rddreg [dreg:$0x1];
	p0 =	sne.s32 s2, $0x0  }
0x60: {  	s3 =	rddreg [dreg:$0x2];
	[bflag:$0x3] =	sbarrier.arrive $0xFFFF;
	s2 =	simm.s32 @!p0 $0x1C02  }
0x61: {  	[timem:s3], [sflag:s2] =	dma.local @!p0 [hbm:s0], s1  }
0x62: {  	s0 =	simm.s32 @!p0 $0x2  }
0x63: {  	_ =	swait.ge @!p0 [sflag:s0], s1  }
0x64: {  	s1 =	ssub.s32 @!p0 $0x0, s1;
	[sflag:s0] =	ssyncset.done @!p0 $0x0  }
0x65: {  	[sflag:s0] =	ssyncadd.s32 @!p0 s1  }
0x66: {  	[bflag:$0x3] =	sbarrier.arrive $0xFFFF  }
0x67: {  	_ =	shalt  }

// kernel: kernel.16.cloned.1.call-start
scs
__scs_entry_jumppad:
0x0: {  	(pc) =	sbr.rel $0x88, $3  }
0x1: {  	(tag) =	ssettag $0x0;
	lr =	simm.s32 $0x1  }
0x2: {  	[smem:$0x3F95] =	sst lr;
	_ =	strace $0xD0000000  }
0x3: {  	_ = 	snop  }
0x4: {  	_ = 	snop  }
0x5: {  	_ = 	snop  }
0x6: {  	_ = 	snop  }
0x7: {  	_ = 	snop  }
__scs_overlays_trampoline_lowered:
0x8: {  	[smem:$0x3FA4] =	sst s0  }
0x9: {  	[smem:$0x3FA5] =	sst s1  }
0xa: {  	[smem:$0x3FA6] =	sst s2  }
0xb: {  	[smem:$0x3FA7] =	sst s3  }
0xc: {  	[smem:$0x3FA8] =	sst s4  }
0xd: {  	[smem:$0x3FA9] =	sst s5  }
0xe: {  	[smem:$0x3FAA] =	sst s6  }
0xf: {  	[smem:$0x3FAB] =	sst s7  }
0x10: {  	[smem:$0x3FAC] =	sst s8  }
0x11: {  	[smem:$0x3FAD] =	sst s9;
	s0 =	simm.s32 @!p0 $0x0  }
0x12: {  	s1 =	sld [smem:$0x3F93];
	s0 =	simm.s32 @p0 $0x1  }
0x13: {  	[smem:$0x3FAE] =	sst s0;
	s0 =	simm.s32 @!p1 $0x0  }
0x14: {  	s2 =	sld [smem:$0x3F92];
	s0 =	simm.s32 @p1 $0x1  }
0x15: {  	[smem:$0x3FAF] =	sst s0;
	s0 =	simm.s32 @!p2 $0x0  }
0x16: {  	s3 =	sld [smem:$0x3FDB];
	s0 =	simm.s32 @p2 $0x1  }
0x17: {  	s4 =	simm.s32 $0x1BF5;
	[smem:$0x3FB1] =	sst s0  }
0x18: {  	s0 =	sld [smem:$0x3F94];
	_ =	swait.ge [sflag:s4], $0x0  }
0x19: {  	s7 =	sld [smem:$0x3F95]  }
0x1a: {  	s8 =	sadd.s32 $0xFFFFE003, lr  }
0x1b: {  	s9 =	sadd.s32 $0xFFFFFEF7, lr;
	s5 =	simm.s32 $0xFFFFFFFF;
	p2 =	slt.u32 s8, $0xFFFFF086  }
0x1c: {  	p1 =	slt.u32 s9, $0xF7A;
	s5 =	simm.s32 @!p2 $0x0  }
0x1d: {  	s5 =	simm.s32 @p1 $0x1;
	p0 =	seq.s32 s7, s2  }
0x1e: {  	s7 =	smul.u32 @!p0 $0xF7A, s2;
	p2 =	seq.s32 @!p0 s5, $0x0  }
0x1f: {  	s9 =	smul.u32 $0xF7A, s1;
	s8 =	simm.s32 @!p0 $0x1BF5;
	p2 =	por !p2, p0  }
0x20: {  	[sflag:s8] =	ssyncset.s32 @!p0 $0xFFFFF086;
	s6 =	sadd.s32 @!p0 s3, s7;
	s7 =	simm.s32 @!p0 $0x108  }
0x21: {  	s3 =	sadd.s32 s3, s9;
	s6 =	sadd.s32 @!p0 $0x88, s6;
	s7 =	simm.s32 @p2 $0x1082  }
0x22: {  	[simem:s7], [sflag:s8] =	dma.local @!p0 [hbm:s6], $0xF7A  }
0x23: {  	s9 =	sor.u32 $0xD0000000, s2;
	s6 =	simm.s32 $0x108;
	_ =	swait.ge @!p0 [sflag:s8], $0x0  }
0x24: {  	s3 =	sadd.s32 $0x88, s3;
	s6 =	simm.s32 @!p1 $0x1082;
	[sflag:s4] =	ssyncset.s32 $0xFFFFF086  }
0x25: {  	[simem:s6], [sflag:s4] =	dma.local [hbm:s3], $0xF7A  }
0x26: {  	[smem:$0x3F95] =	sst s1;
	(tag) =	ssettag s2;
	_ =	strace s9  }
0x27: {  	s1 =	sld [smem:$0x3FA5]  }
0x28: {  	s2 =	sld [smem:$0x3FA6]  }
0x29: {  	s4 =	sld [smem:$0x3FA8]  }
0x2a: {  	p0 =	seq.s32 s5, $0x0;
	s5 =	sld [smem:$0x3FA9]  }
0x2b: {  	s6 =	sld [smem:$0x3FAA]  }
0x2c: {  	s7 =	sld [smem:$0x3FAB]  }
0x2d: {  	s3 =	simm.s32 $0x108;
	s8 =	sld [smem:$0x3FAC]  }
0x2e: {  	s3 =	simm.s32 @!p0 $0x1082;
	s9 =	sld [smem:$0x3FAD]  }
0x2f: {  	lr =	sadd.s32 s0, s3;
	s0 =	sld [smem:$0x3FA4]  }
0x30: {  	s3 =	sld [smem:$0x3FA7]  }
0x31: {  	[smem:$0x3FB0] =	sst s10  }
0x32: {  	s10 =	sld [smem:$0x3FAE];
	_ =	sdelay $0x3  }
0x33: {  	p0 =	seq.s32 s10, $0x1;
	s10 =	sld [smem:$0x3FB0];
	_ =	sdelay $0x3  }
0x34: {  	[smem:$0x3FB0] =	sst s10  }
0x35: {  	s10 =	sld [smem:$0x3FAF];
	_ =	sdelay $0x3  }
0x36: {  	p1 =	seq.s32 s10, $0x1;
	s10 =	sld [smem:$0x3FB0];
	_ =	sdelay $0x3  }
0x37: {  	[smem:$0x3FB0] =	sst s10  }
0x38: {  	s10 =	sld [smem:$0x3FB1]  }
0x39: {  	_ = 	snop;
	(pc) =	sbr.ind lr, $3  }
0x3a: {  	_ = 	snop  }
0x3b: {  	_ = 	snop  }
0x3c: {  	p2 =	seq.s32 s10, $0x1;
	s10 =	sld [smem:$0x3FB0]  }
0x3d: {  	_ =	shalt  }
0x3e: {  	_ =	shalt  }
0x3f: {  	_ =	shalt  }
0x40: {  	_ =	shalt  }
0x41: {  	_ =	shalt  }
0x42: {  	_ =	shalt  }
0x43: {  	_ =	shalt  }
0x44: {  	_ =	shalt  }
0x45: {  	_ =	shalt  }
0x46: {  	_ =	shalt  }
0x47: {  	_ =	shalt  }
0x48: {  	_ =	shalt  }
0x49: {  	_ =	shalt  }
0x4a: {  	_ =	shalt  }
0x4b: {  	_ =	shalt  }
0x4c: {  	_ =	shalt  }
0x4d: {  	_ =	shalt  }
0x4e: {  	_ =	shalt  }
0x4f: {  	_ =	shalt  }
0x50: {  	_ =	shalt  }
0x51: {  	_ =	shalt  }
0x52: {  	_ =	shalt  }
0x53: {  	_ =	shalt  }
0x54: {  	_ =	shalt  }
0x55: {  	_ =	shalt  }
0x56: {  	_ =	shalt  }
0x57: {  	_ =	shalt  }
0x58: {  	_ =	shalt  }
0x59: {  	_ =	shalt  }
0x5a: {  	_ =	shalt  }
0x5b: {  	_ =	shalt  }
0x5c: {  	_ =	shalt  }
0x5d: {  	_ =	shalt  }
0x5e: {  	_ =	shalt  }
0x5f: {  	_ =	shalt  }
0x60: {  	_ =	shalt  }
0x61: {  	_ =	shalt  }
0x62: {  	_ =	shalt  }
0x63: {  	_ =	shalt  }
0x64: {  	_ =	shalt  }
0x65: {  	_ =	shalt  }
0x66: {  	_ =	shalt  }
0x67: {  	_ =	shalt  }
0x68: {  	_ =	shalt  }
0x69: {  	_ =	shalt  }
0x6a: {  	_ =	shalt  }
0x6b: {  	_ =	shalt  }
0x6c: {  	_ =	shalt  }
0x6d: {  	_ =	shalt  }
0x6e: {  	_ =	shalt  }
0x6f: {  	_ =	shalt  }
0x70: {  	_ =	shalt  }
0x71: {  	_ =	shalt  }
0x72: {  	_ =	shalt  }
0x73: {  	_ =	shalt  }
0x74: {  	_ =	shalt  }
0x75: {  	_ =	shalt  }
0x76: {  	_ =	shalt  }
0x77: {  	_ =	shalt  }
0x78: {  	_ =	shalt  }
0x79: {  	_ =	shalt  }
0x7a: {  	_ =	shalt  }
0x7b: {  	_ =	shalt  }
0x7c: {  	_ =	shalt  }
0x7d: {  	_ =	shalt  }
0x7e: {  	_ =	shalt  }
0x7f: {  	_ =	shalt  }
0x80: {  	_ =	shalt  }
0x81: {  	_ =	shalt  }
0x82: {  	_ =	shalt  }
0x83: {  	_ =	shalt  }
0x84: {  	_ =	shalt  }
0x85: {  	_ =	shalt  }
0x86: {  	_ =	shalt  }
0x87: {  	_ =	shalt  }
.Lfunc_end0:
.L_simem_size_0:
called_computation.2_lowered:
.L_overlay_start_0:
0x88: {  	s2 =	sld [smem:$0x3FD9]  }
0x89: {  	s3 =	sld [smem:$0x3FFE];
	_ =	sdelay $0x1  }
0x8a: {  	s1 =	srdreg.scid  }
0x8b: {  	s0 =	sand.u32 $0x1, s1  }
0x8c: {  	s17 =	sshll.u32 s0, $0xA;
	s2 =	sadd.s32 s3, s2  }
0x8d: {  	s2 =	sadd.s32 s2, s17  }
0x8e: {  	[smem:$0x3FBC] =	sst s2  }
0x8f: {  	_ = 	snop  }
0x90: {  	s2 =	sld [smem:$0x3FD0];
	(tm) =	ssettm $0x1  }
0x91: {  	s18 =	sld [smem:$0x3FFB];
	_ =	sdelay $0x3  }
0x92: {  	_ =	strace s18  }
0x93: {  	s3 =	sld [smem:$0x3FFC];
	_ =	sdelay $0x3  }
0x94: {  	_ =	strace s3  }
0x95: {  	s3 =	sld [smem:$0x3FFD];
	_ =	sdelay $0x3  }
0x96: {  	_ =	strace s3  }
0x97: {  	_ =	strace $0x8FFFFFFF  }
0x98: {  	s19 =	sld [smem:$0x3FDB];
	_ =	sdelay $0x1  }
0x99: {  	s4 =	simm.s32 $_scs_section_size  }
0x9a: {  	s5 =	simm.s32 $_size__tile_overlayer_lowered;
	s6 =	simm.s32 $_tile_overlayer_lowered  }
0x9b: {  	s22 =	simm.s32 $0x1BFF;
	s21 =	sshll.u32 s6, $0x1;
	s3 =	sadd.s32 s4, s19  }
0x9c: {  	s7 =	simm.s32 $0x0;
	s20 =	sshll.u32 s5, $0x1;
	s5 =	sadd.s32 s21, s3  }
0x9d: {  	[timem:s7], [sflag:s22] =	dma.local [hbm:s5], s20  }
0x9e: {  	_ =	swait.ge [sflag:s22], s20  }
0x9f: {  	s4 =	ssub.s32 $0x0, s20;
	[sflag:s22] =	ssyncset.done $0x0  }
0xa0: {  	[sflag:s22] =	ssyncadd.s32 s4;
	_ =	sdelay $0x1  }
0xa1: {  	s23 =	simm.s32 $0x1B8B  }
0xa2: {  	_ =	swait.ge [sflag:s23], $0x1  }
0xa3: {  	[sflag:s23] =	ssyncset.done $0x0  }
0xa4: {  	s25 =	simm.s32 $0x1B8E;
	s24 =	sld [smem:$0x3FFE];
	[sflag:s23] =	ssyncadd.s32 $0xFFFFFFFF  }
0xa5: {  	s26 =	simm.s32 $execute0_lowered;
	[smem:$0x3FD2] =	sst s25  }
0xa6: {  	s5 =	sshll.u32 s26, $0x1;
	_ =	strace $0x8000004C;
	[dreg:$0x1] =	wrdreg $0xFFFFFFFF  }
0xa7: {  	s28 =	simm.s32 $_size_execute0_lowered;
	s3 =	sadd.s32 s3, s5;
	[dreg:$0x0] =	wrdreg $0x0  }
0xa8: {  	s5 =	sshll.u32 s28, $0x1;
	[dreg:$0x2] =	wrdreg s3  }
0xa9: {  	[dreg:$0x3] =	wrdreg s5  }
0xaa: {  	[dreg:$0x4] =	wrdreg $0xC0  }
0xab: {  	_ =	task [dreg:s7], $0x5FFFF  }
0xac: {  	[dreg:$0x1] =	wrdreg $0xFFFFFFFF  }
0xad: {  	[dreg:$0x0] =	wrdreg $0x60  }
0xae: {  	[dreg:$0x2] =	wrdreg s24  }
0xaf: {  	[dreg:$0x3] =	wrdreg s2  }
0xb0: {  	[dreg:$0x4] =	wrdreg $0x49000  }
0xb1: {  	[dreg:$0x5] =	wrdreg $0x9  }
0xb2: {  	_ =	task.clear_ibuf [dreg:s7], $0x6FFFF;
	_ =	strace $0x9000004C  }
0xb3: {  	s29 =	simm.s32 $0x9;
	_ =	strace $0x8000004E  }
0xb4: {  	_ =	swait.ge [sflag:s29], $0x1  }
0xb5: {  	[sflag:s29] =	ssyncadd.s32 $0xFFFFFFFF  }
0xb6: {  	_ =	strace $0x9000004E  }
0xb7: {  	_ =	sfence  }
0xb8: {  	s30 =	sld [smem:$0x0];
	_ =	sdelay $0x2  }
0xb9: {  	s31 =	sshll.u32 s1, $0xD;
	s1 =	sshrl.u32 s1, $0x2  }
0xba: {  	s3 =	sand.u32 $0x4000, s31;
	s1 =	sadd.s32 s1, s30  }
0xbb: {  	s0 =	sor.u32 s3, s0;
	s1 =	sshll.u32 s1, $0x11  }
0xbc: {  	s0 =	sor.u32 s1, s0  }
0xbd: {  	s0 =	sadd.s32 $0x8F2B, s0  }
0xbe: {  	[sflag:s0] =	ssyncadd.remote.s32 $0x1  }
0xbf: {  	_ =	sfence.sel $0xFFFF  }
0xc0: {  	[dreg:$0x0] =	wrdreg $0xFFFFFFFF;
	(pc) =	sbr.abs _section_cstart, $3  }
0xc1: {  	[dreg:$0x1] =	wrdreg $0xFFFFFFFF  }
0xc2: {  	_ =	task.clear_ibuf [dreg:s7], $0x2FFFF;
	_ =	strace $0x9FFFFFFF  }
0xc3: {  	(tm) =	ssettm $0x7FFFFFFF  }
tec
execute0_lowered:
.L_overlay_start_1:
0x0: {  	(tag) =	ssettag $0x1  }
0x1: {  	s5 =	rddreg [dreg:$0x0]  }
0x2: {  	s7 =	rddreg [dreg:$0x1]  }
0x3: {  	s1 =	rddreg [dreg:$0x2];
	s2 =	srdreg.scid  }
0x4: {  	s0 =	rddreg [dreg:$0x3];
	s3 =	simm.s32 $0x0;
	s6 =	sand.u32 $0x1, s2  }
0x5: {  	s14 =	simm.s32 $0x1;
	s2 =	stileid.u32;
	s8 =	smul.u32 $0x140000, s6  }
0x6: {  	s17 =	simm.s32 $0x0;
	[smem:$0x7FF] =	sst s3;
	s9 =	smul.u32 $0x14000, s2  }
0x7: {  	s4 =	sadd.s32 $0xE400, s5;
	_ =	strace $0x8000004D;
	s10 =	smul.u32 $0x4F00, s6  }
0x8: {  	s29 =	smul.u32 $0x50000, s2;
	s6 =	ssub.s32 $0x2, s6;
	s15 =	sshll.u32 s2, $0x6  }
0x9: {  	s13 =	smul.u32 $0x4F0, s2;
	s12 =	sshrl.u32 s6, $0x1;
	s15 =	sor.u32 $0x1C02, s15  }
0xa: {  	s8 =	sadd.s32 s9, s8;
	s11 =	sadd.s32 s10, s5;
	s9 =	sshrl.u32 s29, $0x2  }
0xb: {  	s12 =	ssub.s32 s6, s12;
	s30 =	sadd.s32 s10, s7;
	s10 =	simm.s32 $0x4100  }
0xc: {  	s8 =	sshrl.u32 s8, $0x3;
	s31 =	sadd.s32 s13, s11;
	s7 =	smax.u32 s12, $0x1  }
0xd: {  	s11 =	simm.s32 $0x2;
	s12 =	simm.s32 $0x80;
	s8 =	sadd.s32 s8, s5  }
0xe: {  	s5 =	sadd.s32 s9, s1;
	s9 =	sadd.s32 $0x4600, s31;
	s6 =	sadd.s32 $0x36400, s8  }
0xf: {  	v0 =	vimm.f32 $0.0e+00;
	s8 =	sadd.s32 s13, s30;
	s13 =	simm.s32 $0x100;
	s16 =	sshrl.u32 s5, $0x3  }
.LBB2_1:
0x10: {  	s18 =	simm.s32 $0x0;
	s19 =	simm.s32 $0x0  }
.LBB2_2:
0x11: {  	p0 =	sne.s32 s19, $0x1FC0  }
.Ltmp0:
0x12: {  	_ = 	snop;
	(pc) =	sbr.rel @p0 .LBB2_2-.Ltmp0, $4  }
0x13: {  	s20 =	sand.u32 $0x1E00, s19  }
0x14: {  	s21 =	sand.u32 $0x70, s18;
	s20 =	sshrl.u32 s20, $0x2  }
0x15: {  	s20 =	sor.u32 s21, s20  }
0x16: {  	s18 =	sadd.s32 $0x10, s18;
	s19 =	sadd.s32 $0x40, s19;
	[tilespmem:s20+$0x4100] =	vst v0  }
0x17: {  	s18 =	sadd.s32 $0x0, s5  }
0x18: {  	[spmem:s18] =	stream.linear.scatter [tilespmem:s10], [sflag:$0x2], $0x800, $0x38;
	[tilespmem:$0x18900] =	vst v63  }
0x19: {  	s18 =	simm.s32 $0x2000;
	_ =	swait.ge [sflag:s11], $0x800  }
.LBB2_4:
0x1a: {  	s19 =	sshra.s32 s18, $0x2;
	[sflag:s11] =	ssyncset.done $0x0;
	p0 =	sne.s32 s18, $0x4E000  }
.Ltmp1:
0x1b: {  	s19 =	sadd.s32 s19, s5;
	[sflag:s11] =	ssyncadd.s32 $0xFFFFF800;
	(pc) =	sbr.rel @p0 .LBB2_4-.Ltmp1, $3  }
0x1c: {  	[spmem:s19] =	stream.linear.scatter [tilespmem:s10], [sflag:$0x2], $0x800, $0x38;
	[tilespmem:$0x18900] =	vst v63  }
0x1d: {  	s18 =	sadd.s32 $0x2000, s18;
	_ =	sdelay $0x1  }
0x1e: {  	_ =	swait.ge [sflag:s11], $0x800  }
0x1f: {  	[sflag:s11] =	ssyncset.done $0x0  }
0x20: {  	[sflag:s11] =	ssyncadd.s32 $0xFFFFF800  }
0x21: {  	s18 =	sadd.s32 $0x0, s9;
	[bflag:$0x0] =	sbarrier.arrive $0xFFFF  }
0x22: {  	[tilespmem:s3], [sflag:$0x2] =	stream.linear.gather [hbm4b:s18+s3], $0x80, $0x38;
	[tilespmem:$0x18900] =	vst v63  }
0x23: {  	_ =	swait.ge [sflag:s11], $0x80  }
0x24: {  	[sflag:s11] =	ssyncset.done $0x0  }
0x25: {  	s31 =	sadd.s32 $0x0, s8;
	[sflag:s11] =	ssyncadd.s32 $0xFFFFFF80  }
0x26: {  	[tilespmem:s12], [sflag:$0x2] =	stream.linear.gather [hbm4b:s31+s3], $0x80, $0x38;
	[tilespmem:$0x18900] =	vst v63  }
0x27: {  	_ =	swait.ge [sflag:s11], $0x80  }
0x28: {  	[sflag:s11] =	ssyncset.done $0x0  }
0x29: {  	[sflag:s11] =	ssyncadd.s32 $0xFFFFFF80  }
0x2a: {  	[tilespmem:s13], [sflag:$0x1] =	stream.indirect.gather [hbm4b:s4+s12], $0x80, s3, s12, $0xb8;
	[tilespmem:$0x18900] =	vst v63  }
0x2b: {  	_ =	swait.ge [sflag:s14], $0x4000  }
0x2c: {  	[sflag:s14] =	ssyncset.done $0x0  }
0x2d: {  	[sflag:s14] =	ssyncadd.s32 $0xFFFFC000  }
0x2e: {  	[spmem:s1] =	stream.indirect.scatter.add.f32 [tilespmem:s13], [sflag:$0x2], $0x80, s12, s12, $0xb8;
	[tilespmem:$0x18900] =	vst v63  }
0x2f: {  	_ =	swait.ge [sflag:s11], $0x4000  }
0x30: {  	s19 =	simm.s32 $0x20;
	s18 =	simm.s32 $0x10;
	[sflag:s11] =	ssyncset.done $0x0  }
.LBB2_6:
0x31: {  	s20 =	sadd.s32 s18, s9  }
0x32: {  	[sflag:s11] =	ssyncadd.s32 $0xFFFFC000;
	s21 =	smov.u32 s19;
	s22 =	sadd.s32 $0x10, s19  }
0x33: {  	[tilespmem:s3], [sflag:$0x2] =	stream.linear.gather [hbm4b:s20+s3], $0x80, $0x38;
	[tilespmem:$0x18900] =	vst v63  }
0x34: {  	p0 =	sne.s32 s19, $0x4E0;
	_ =	swait.ge [sflag:s11], $0x80  }
0x35: {  	[sflag:s11] =	ssyncset.done $0x0  }
0x36: {  	s19 =	sadd.s32 s18, s8;
	s18 =	smov.u32 s21;
	[sflag:s11] =	ssyncadd.s32 $0xFFFFFF80  }
0x37: {  	[tilespmem:s12], [sflag:$0x2] =	stream.linear.gather [hbm4b:s19+s3], $0x80, $0x38;
	[tilespmem:$0x18900] =	vst v63  }
0x38: {  	_ =	swait.ge [sflag:s11], $0x80  }
0x39: {  	[sflag:s11] =	ssyncset.done $0x0  }
0x3a: {  	[sflag:s11] =	ssyncadd.s32 $0xFFFFFF80  }
0x3b: {  	[tilespmem:s13], [sflag:$0x1] =	stream.indirect.gather [hbm4b:s4+s12], $0x80, s3, s12, $0xb8;
	[tilespmem:$0x18900] =	vst v63  }
0x3c: {  	_ =	swait.ge [sflag:s14], $0x4000  }
.Ltmp2:
0x3d: {  	[sflag:s14] =	ssyncset.done $0x0;
	(pc) =	sbr.rel @p0 .LBB2_6-.Ltmp2, $4  }
0x3e: {  	[sflag:s14] =	ssyncadd.s32 $0xFFFFC000  }
0x3f: {  	[spmem:s1] =	stream.indirect.scatter.add.f32 [tilespmem:s13], [sflag:$0x2], $0x80, s12, s12, $0xb8;
	[tilespmem:$0x18900] =	vst v63  }
0x40: {  	_ =	swait.ge [sflag:s11], $0x4000  }
0x41: {  	s19 =	smov.u32 s22;
	[sflag:s11] =	ssyncset.done $0x0  }
0x42: {  	s19 =	sadd.s32 s18, s9;
	[sflag:s11] =	ssyncadd.s32 $0xFFFFC000  }
0x43: {  	[tilespmem:s3], [sflag:$0x2] =	stream.linear.gather [hbm4b:s19+s3], $0x80, $0x38;
	[tilespmem:$0x18900] =	vst v63  }
0x44: {  	_ =	swait.ge [sflag:s11], $0x80  }
0x45: {  	[sflag:s11] =	ssyncset.done $0x0  }
0x46: {  	s31 =	sadd.s32 s18, s8;
	[sflag:s11] =	ssyncadd.s32 $0xFFFFFF80  }
0x47: {  	[tilespmem:s12], [sflag:$0x2] =	stream.linear.gather [hbm4b:s31+s3], $0x80, $0x38;
	[tilespmem:$0x18900] =	vst v63  }
0x48: {  	_ =	swait.ge [sflag:s11], $0x80  }
0x49: {  	[sflag:s11] =	ssyncset.done $0x0  }
0x4a: {  	[sflag:s11] =	ssyncadd.s32 $0xFFFFFF80  }
0x4b: {  	[tilespmem:s13], [sflag:$0x1] =	stream.indirect.gather [hbm4b:s4+s12], $0x80, s3, s12, $0xb8;
	[tilespmem:$0x18900] =	vst v63  }
0x4c: {  	_ =	swait.ge [sflag:s14], $0x4000  }
0x4d: {  	[sflag:s14] =	ssyncset.done $0x0  }
0x4e: {  	[sflag:s14] =	ssyncadd.s32 $0xFFFFC000  }
0x4f: {  	[spmem:s1] =	stream.indirect.scatter.add.f32 [tilespmem:s13], [sflag:$0x2], $0x80, s12, s12, $0xb8;
	[tilespmem:$0x18900] =	vst v63  }
0x50: {  	_ =	swait.ge [sflag:s11], $0x4000  }
0x51: {  	s17 =	sadd.s32 $0x1, s17;
	[sflag:s11] =	ssyncset.done $0x0  }
0x52: {  	p0 =	sne.s32 s17, s7;
	[sflag:s11] =	ssyncadd.s32 $0xFFFFC000  }
.Ltmp3:
0x53: {  	[bflag:$0x0] =	sbarrier.arrive $0xFFFF;
	(pc) =	sbr.rel @p0 .LBB2_1-.Ltmp3, $4  }
0x54: {  	[hbm:s6], [sflag:s15] =	dma.local [spmem:s16], $0x2800  }
0x55: {  	_ =	swait.ge [sflag:s11], $0x2800  }
0x56: {  	[sflag:s11] =	ssyncset.done $0x0  }
0x57: {  	[sflag:s11] =	ssyncadd.s32 $0xFFFFD800  }
0x58: {  	_ =	sfence.sel $0x180000  }
0x59: {  	[bflag:$0x0] =	sbarrier.arrive $0xFFFF  }
0x5a: {  	p0 =	sne.s32 s2, $0x0;
	_ =	strace $0x9000004D  }
0x5b: {  	s0 =	sadd.s32 @!p0 $0x100000, s0;
	[bflag:$0x2] =	sbarrier.arrive $0xFFFF  }
0x5c: {  	[sflag:s0] =	ssyncadd.tile.s32 @!p0 $0x1;
	_ =	shalt  }
.Lfunc_end2:
_tile_overlayer_lowered:
.L_overlay_start_2:
0x5d: {  	(tag) =	ssettag $0x2  }
0x5e: {  	s0 =	rddreg [dreg:$0x0];
	s2 =	stileid.u32  }
0x5f: {  	s1 =	rddreg [dreg:$0x1];
	p0 =	sne.s32 s2, $0x0  }
0x60: {  	s3 =	rddreg [dreg:$0x2];
	[bflag:$0x3] =	sbarrier.arrive $0xFFFF;
	s2 =	simm.s32 @!p0 $0x1C02  }
0x61: {  	[timem:s3], [sflag:s2] =	dma.local @!p0 [hbm:s0], s1  }
0x62: {  	s0 =	simm.s32 @!p0 $0x2  }
0x63: {  	_ =	swait.ge @!p0 [sflag:s0], s1  }
0x64: {  	s1 =	ssub.s32 @!p0 $0x0, s1;
	[sflag:s0] =	ssyncset.done @!p0 $0x0  }
0x65: {  	[sflag:s0] =	ssyncadd.s32 @!p0 s1  }
0x66: {  	[bflag:$0x3] =	sbarrier.arrive $0xFFFF  }
0x67: {  	_ =	shalt  }

// kernel: kernel.19.cloned.1.call-start
scs
__scs_entry_jumppad:
0x0: {  	(pc) =	sbr.rel $0x88, $3  }
0x1: {  	(tag) =	ssettag $0x0;
	lr =	simm.s32 $0x1  }
0x2: {  	[smem:$0x3F95] =	sst lr;
	_ =	strace $0xD0000000  }
0x3: {  	_ = 	snop  }
0x4: {  	_ = 	snop  }
0x5: {  	_ = 	snop  }
0x6: {  	_ = 	snop  }
0x7: {  	_ = 	snop  }
__scs_overlays_trampoline_lowered:
0x8: {  	[smem:$0x3FA4] =	sst s0  }
0x9: {  	[smem:$0x3FA5] =	sst s1  }
0xa: {  	[smem:$0x3FA6] =	sst s2  }
0xb: {  	[smem:$0x3FA7] =	sst s3  }
0xc: {  	[smem:$0x3FA8] =	sst s4  }
0xd: {  	[smem:$0x3FA9] =	sst s5  }
0xe: {  	[smem:$0x3FAA] =	sst s6  }
0xf: {  	[smem:$0x3FAB] =	sst s7  }
0x10: {  	[smem:$0x3FAC] =	sst s8  }
0x11: {  	[smem:$0x3FAD] =	sst s9;
	s0 =	simm.s32 @!p0 $0x0  }
0x12: {  	s1 =	sld [smem:$0x3F93];
	s0 =	simm.s32 @p0 $0x1  }
0x13: {  	[smem:$0x3FAE] =	sst s0;
	s0 =	simm.s32 @!p1 $0x0  }
0x14: {  	s2 =	sld [smem:$0x3F92];
	s0 =	simm.s32 @p1 $0x1  }
0x15: {  	[smem:$0x3FAF] =	sst s0;
	s0 =	simm.s32 @!p2 $0x0  }
0x16: {  	s3 =	sld [smem:$0x3FDB];
	s0 =	simm.s32 @p2 $0x1  }
0x17: {  	s4 =	simm.s32 $0x1BF5;
	[smem:$0x3FB1] =	sst s0  }
0x18: {  	s0 =	sld [smem:$0x3F94];
	_ =	swait.ge [sflag:s4], $0x0  }
0x19: {  	s7 =	sld [smem:$0x3F95]  }
0x1a: {  	s8 =	sadd.s32 $0xFFFFE003, lr  }
0x1b: {  	s9 =	sadd.s32 $0xFFFFFEF7, lr;
	s5 =	simm.s32 $0xFFFFFFFF;
	p2 =	slt.u32 s8, $0xFFFFF086  }
0x1c: {  	p1 =	slt.u32 s9, $0xF7A;
	s5 =	simm.s32 @!p2 $0x0  }
0x1d: {  	s5 =	simm.s32 @p1 $0x1;
	p0 =	seq.s32 s7, s2  }
0x1e: {  	s7 =	smul.u32 @!p0 $0xF7A, s2;
	p2 =	seq.s32 @!p0 s5, $0x0  }
0x1f: {  	s9 =	smul.u32 $0xF7A, s1;
	s8 =	simm.s32 @!p0 $0x1BF5;
	p2 =	por !p2, p0  }
0x20: {  	[sflag:s8] =	ssyncset.s32 @!p0 $0xFFFFF086;
	s6 =	sadd.s32 @!p0 s3, s7;
	s7 =	simm.s32 @!p0 $0x108  }
0x21: {  	s3 =	sadd.s32 s3, s9;
	s6 =	sadd.s32 @!p0 $0x88, s6;
	s7 =	simm.s32 @p2 $0x1082  }
0x22: {  	[simem:s7], [sflag:s8] =	dma.local @!p0 [hbm:s6], $0xF7A  }
0x23: {  	s9 =	sor.u32 $0xD0000000, s2;
	s6 =	simm.s32 $0x108;
	_ =	swait.ge @!p0 [sflag:s8], $0x0  }
0x24: {  	s3 =	sadd.s32 $0x88, s3;
	s6 =	simm.s32 @!p1 $0x1082;
	[sflag:s4] =	ssyncset.s32 $0xFFFFF086  }
0x25: {  	[simem:s6], [sflag:s4] =	dma.local [hbm:s3], $0xF7A  }
0x26: {  	[smem:$0x3F95] =	sst s1;
	(tag) =	ssettag s2;
	_ =	strace s9  }
0x27: {  	s1 =	sld [smem:$0x3FA5]  }
0x28: {  	s2 =	sld [smem:$0x3FA6]  }
0x29: {  	s4 =	sld [smem:$0x3FA8]  }
0x2a: {  	p0 =	seq.s32 s5, $0x0;
	s5 =	sld [smem:$0x3FA9]  }
0x2b: {  	s6 =	sld [smem:$0x3FAA]  }
0x2c: {  	s7 =	sld [smem:$0x3FAB]  }
0x2d: {  	s3 =	simm.s32 $0x108;
	s8 =	sld [smem:$0x3FAC]  }
0x2e: {  	s3 =	simm.s32 @!p0 $0x1082;
	s9 =	sld [smem:$0x3FAD]  }
0x2f: {  	lr =	sadd.s32 s0, s3;
	s0 =	sld [smem:$0x3FA4]  }
0x30: {  	s3 =	sld [smem:$0x3FA7]  }
0x31: {  	[smem:$0x3FB0] =	sst s10  }
0x32: {  	s10 =	sld [smem:$0x3FAE];
	_ =	sdelay $0x3  }
0x33: {  	p0 =	seq.s32 s10, $0x1;
	s10 =	sld [smem:$0x3FB0];
	_ =	sdelay $0x3  }
0x34: {  	[smem:$0x3FB0] =	sst s10  }
0x35: {  	s10 =	sld [smem:$0x3FAF];
	_ =	sdelay $0x3  }
0x36: {  	p1 =	seq.s32 s10, $0x1;
	s10 =	sld [smem:$0x3FB0];
	_ =	sdelay $0x3  }
0x37: {  	[smem:$0x3FB0] =	sst s10  }
0x38: {  	s10 =	sld [smem:$0x3FB1]  }
0x39: {  	_ = 	snop;
	(pc) =	sbr.ind lr, $3  }
0x3a: {  	_ = 	snop  }
0x3b: {  	_ = 	snop  }
0x3c: {  	p2 =	seq.s32 s10, $0x1;
	s10 =	sld [smem:$0x3FB0]  }
0x3d: {  	_ =	shalt  }
0x3e: {  	_ =	shalt  }
0x3f: {  	_ =	shalt  }
0x40: {  	_ =	shalt  }
0x41: {  	_ =	shalt  }
0x42: {  	_ =	shalt  }
0x43: {  	_ =	shalt  }
0x44: {  	_ =	shalt  }
0x45: {  	_ =	shalt  }
0x46: {  	_ =	shalt  }
0x47: {  	_ =	shalt  }
0x48: {  	_ =	shalt  }
0x49: {  	_ =	shalt  }
0x4a: {  	_ =	shalt  }
0x4b: {  	_ =	shalt  }
0x4c: {  	_ =	shalt  }
0x4d: {  	_ =	shalt  }
0x4e: {  	_ =	shalt  }
0x4f: {  	_ =	shalt  }
0x50: {  	_ =	shalt  }
0x51: {  	_ =	shalt  }
0x52: {  	_ =	shalt  }
0x53: {  	_ =	shalt  }
0x54: {  	_ =	shalt  }
0x55: {  	_ =	shalt  }
0x56: {  	_ =	shalt  }
0x57: {  	_ =	shalt  }
0x58: {  	_ =	shalt  }
0x59: {  	_ =	shalt  }
0x5a: {  	_ =	shalt  }
0x5b: {  	_ =	shalt  }
0x5c: {  	_ =	shalt  }
0x5d: {  	_ =	shalt  }
0x5e: {  	_ =	shalt  }
0x5f: {  	_ =	shalt  }
0x60: {  	_ =	shalt  }
0x61: {  	_ =	shalt  }
0x62: {  	_ =	shalt  }
0x63: {  	_ =	shalt  }
0x64: {  	_ =	shalt  }
0x65: {  	_ =	shalt  }
0x66: {  	_ =	shalt  }
0x67: {  	_ =	shalt  }
0x68: {  	_ =	shalt  }
0x69: {  	_ =	shalt  }
0x6a: {  	_ =	shalt  }
0x6b: {  	_ =	shalt  }
0x6c: {  	_ =	shalt  }
0x6d: {  	_ =	shalt  }
0x6e: {  	_ =	shalt  }
0x6f: {  	_ =	shalt  }
0x70: {  	_ =	shalt  }
0x71: {  	_ =	shalt  }
0x72: {  	_ =	shalt  }
0x73: {  	_ =	shalt  }
0x74: {  	_ =	shalt  }
0x75: {  	_ =	shalt  }
0x76: {  	_ =	shalt  }
0x77: {  	_ =	shalt  }
0x78: {  	_ =	shalt  }
0x79: {  	_ =	shalt  }
0x7a: {  	_ =	shalt  }
0x7b: {  	_ =	shalt  }
0x7c: {  	_ =	shalt  }
0x7d: {  	_ =	shalt  }
0x7e: {  	_ =	shalt  }
0x7f: {  	_ =	shalt  }
0x80: {  	_ =	shalt  }
0x81: {  	_ =	shalt  }
0x82: {  	_ =	shalt  }
0x83: {  	_ =	shalt  }
0x84: {  	_ =	shalt  }
0x85: {  	_ =	shalt  }
0x86: {  	_ =	shalt  }
0x87: {  	_ =	shalt  }
.Lfunc_end0:
.L_simem_size_0:
called_computation.3_lowered:
.L_overlay_start_0:
0x88: {  	s2 =	sld [smem:$0x3FD9]  }
0x89: {  	s3 =	sld [smem:$0x3FFE];
	_ =	sdelay $0x1  }
0x8a: {  	s1 =	srdreg.scid  }
0x8b: {  	s0 =	sand.u32 $0x1, s1  }
0x8c: {  	s17 =	sshll.u32 s0, $0xA;
	s2 =	sadd.s32 s3, s2  }
0x8d: {  	s2 =	sadd.s32 s2, s17  }
0x8e: {  	[smem:$0x3FBC] =	sst s2  }
0x8f: {  	_ = 	snop  }
0x90: {  	s2 =	sld [smem:$0x3FD0];
	(tm) =	ssettm $0x1  }
0x91: {  	s18 =	sld [smem:$0x3FFB];
	_ =	sdelay $0x3  }
0x92: {  	_ =	strace s18  }
0x93: {  	s3 =	sld [smem:$0x3FFC];
	_ =	sdelay $0x3  }
0x94: {  	_ =	strace s3  }
0x95: {  	s3 =	sld [smem:$0x3FFD];
	_ =	sdelay $0x3  }
0x96: {  	_ =	strace s3  }
0x97: {  	_ =	strace $0x8FFFFFFF  }
0x98: {  	s19 =	sld [smem:$0x3FDB];
	_ =	sdelay $0x1  }
0x99: {  	s4 =	simm.s32 $_scs_section_size  }
0x9a: {  	s5 =	simm.s32 $_size__tile_overlayer_lowered;
	s6 =	simm.s32 $_tile_overlayer_lowered  }
0x9b: {  	s22 =	simm.s32 $0x1BFF;
	s21 =	sshll.u32 s6, $0x1;
	s3 =	sadd.s32 s4, s19  }
0x9c: {  	s7 =	simm.s32 $0x0;
	s20 =	sshll.u32 s5, $0x1;
	s5 =	sadd.s32 s21, s3  }
0x9d: {  	[timem:s7], [sflag:s22] =	dma.local [hbm:s5], s20  }
0x9e: {  	_ =	swait.ge [sflag:s22], s20  }
0x9f: {  	s4 =	ssub.s32 $0x0, s20;
	[sflag:s22] =	ssyncset.done $0x0  }
0xa0: {  	[sflag:s22] =	ssyncadd.s32 s4;
	_ =	sdelay $0x1  }
0xa1: {  	s23 =	simm.s32 $0x1B8B  }
0xa2: {  	_ =	swait.ge [sflag:s23], $0x1  }
0xa3: {  	[sflag:s23] =	ssyncset.done $0x0  }
0xa4: {  	s25 =	simm.s32 $0x1B8E;
	s24 =	sld [smem:$0x3FFE];
	[sflag:s23] =	ssyncadd.s32 $0xFFFFFFFF  }
0xa5: {  	s26 =	simm.s32 $execute0_lowered;
	[smem:$0x3FD2] =	sst s25  }
0xa6: {  	s5 =	sshll.u32 s26, $0x1;
	_ =	strace $0x8000004F;
	[dreg:$0x1] =	wrdreg $0xFFFFFFFF  }
0xa7: {  	s28 =	simm.s32 $_size_execute0_lowered;
	s3 =	sadd.s32 s3, s5;
	[dreg:$0x0] =	wrdreg $0x0  }
0xa8: {  	s5 =	sshll.u32 s28, $0x1;
	[dreg:$0x2] =	wrdreg s3  }
0xa9: {  	[dreg:$0x3] =	wrdreg s5  }
0xaa: {  	[dreg:$0x4] =	wrdreg $0xC0  }
0xab: {  	_ =	task [dreg:s7], $0x5FFFF  }
0xac: {  	[dreg:$0x1] =	wrdreg $0xFFFFFFFF  }
0xad: {  	[dreg:$0x0] =	wrdreg $0x60  }
0xae: {  	[dreg:$0x2] =	wrdreg s24  }
0xaf: {  	[dreg:$0x3] =	wrdreg s2  }
0xb0: {  	[dreg:$0x4] =	wrdreg $0x49000  }
0xb1: {  	[dreg:$0x5] =	wrdreg $0x9  }
0xb2: {  	_ =	task.clear_ibuf [dreg:s7], $0x6FFFF;
	_ =	strace $0x9000004F  }
0xb3: {  	s29 =	simm.s32 $0x9;
	_ =	strace $0x80000051  }
0xb4: {  	_ =	swait.ge [sflag:s29], $0x1  }
0xb5: {  	[sflag:s29] =	ssyncadd.s32 $0xFFFFFFFF  }
0xb6: {  	_ =	strace $0x90000051  }
0xb7: {  	_ =	sfence  }
0xb8: {  	s30 =	sld [smem:$0x0];
	_ =	sdelay $0x2  }
0xb9: {  	s31 =	sshll.u32 s1, $0xD;
	s1 =	sshrl.u32 s1, $0x2  }
0xba: {  	s3 =	sand.u32 $0x4000, s31;
	s1 =	sadd.s32 s1, s30  }
0xbb: {  	s0 =	sor.u32 s3, s0;
	s1 =	sshll.u32 s1, $0x11  }
0xbc: {  	s0 =	sor.u32 s1, s0  }
0xbd: {  	s0 =	sadd.s32 $0x8F2B, s0  }
0xbe: {  	[sflag:s0] =	ssyncadd.remote.s32 $0x1  }
0xbf: {  	_ =	sfence.sel $0xFFFF  }
0xc0: {  	[dreg:$0x0] =	wrdreg $0xFFFFFFFF;
	(pc) =	sbr.abs _section_cstart, $3  }
0xc1: {  	[dreg:$0x1] =	wrdreg $0xFFFFFFFF  }
0xc2: {  	_ =	task.clear_ibuf [dreg:s7], $0x2FFFF;
	_ =	strace $0x9FFFFFFF  }
0xc3: {  	(tm) =	ssettm $0x7FFFFFFF  }
tec
execute0_lowered:
.L_overlay_start_1:
0x0: {  	(tag) =	ssettag $0x1  }
0x1: {  	s5 =	rddreg [dreg:$0x0]  }
0x2: {  	s7 =	rddreg [dreg:$0x1]  }
0x3: {  	s1 =	rddreg [dreg:$0x2];
	s2 =	srdreg.scid  }
0x4: {  	s0 =	rddreg [dreg:$0x3];
	s3 =	simm.s32 $0x0;
	s6 =	sand.u32 $0x1, s2  }
0x5: {  	s14 =	simm.s32 $0x1;
	s2 =	stileid.u32;
	s8 =	smul.u32 $0x140000, s6  }
0x6: {  	s17 =	simm.s32 $0x0;
	[smem:$0x7FF] =	sst s3;
	s9 =	smul.u32 $0x14000, s2  }
0x7: {  	s4 =	sadd.s32 $0xE400, s5;
	_ =	strace $0x80000050;
	s10 =	smul.u32 $0x4F00, s6  }
0x8: {  	s29 =	smul.u32 $0x50000, s2;
	s6 =	ssub.s32 $0x2, s6;
	s15 =	sshll.u32 s2, $0x6  }
0x9: {  	s13 =	smul.u32 $0x4F0, s2;
	s12 =	sshrl.u32 s6, $0x1;
	s15 =	sor.u32 $0x1C02, s15  }
0xa: {  	s8 =	sadd.s32 s9, s8;
	s11 =	sadd.s32 s10, s5;
	s9 =	sshrl.u32 s29, $0x2  }
0xb: {  	s12 =	ssub.s32 s6, s12;
	s30 =	sadd.s32 s10, s7;
	s10 =	simm.s32 $0x4100  }
0xc: {  	s8 =	sshrl.u32 s8, $0x3;
	s31 =	sadd.s32 s13, s11;
	s7 =	smax.u32 s12, $0x1  }
0xd: {  	s11 =	simm.s32 $0x2;
	s12 =	simm.s32 $0x80;
	s8 =	sadd.s32 s8, s5  }
0xe: {  	s5 =	sadd.s32 s9, s1;
	s9 =	sadd.s32 $0x4600, s31;
	s6 =	sadd.s32 $0x36400, s8  }
0xf: {  	v0 =	vimm.f32 $0.0e+00;
	s8 =	sadd.s32 s13, s30;
	s13 =	simm.s32 $0x100;
	s16 =	sshrl.u32 s5, $0x3  }
.LBB2_1:
0x10: {  	s18 =	simm.s32 $0x0;
	s19 =	simm.s32 $0x0  }
.LBB2_2:
0x11: {  	p0 =	sne.s32 s19, $0x1FC0  }
.Ltmp0:
0x12: {  	_ = 	snop;
	(pc) =	sbr.rel @p0 .LBB2_2-.Ltmp0, $4  }
0x13: {  	s20 =	sand.u32 $0x1E00, s19  }
0x14: {  	s21 =	sand.u32 $0x70, s18;
	s20 =	sshrl.u32 s20, $0x2  }
0x15: {  	s20 =	sor.u32 s21, s20  }
0x16: {  	s18 =	sadd.s32 $0x10, s18;
	s19 =	sadd.s32 $0x40, s19;
	[tilespmem:s20+$0x4100] =	vst v0  }
0x17: {  	s18 =	sadd.s32 $0x0, s5  }
0x18: {  	[spmem:s18] =	stream.linear.scatter [tilespmem:s10], [sflag:$0x2], $0x800, $0x38;
	[tilespmem:$0x18900] =	vst v63  }
0x19: {  	s18 =	simm.s32 $0x2000;
	_ =	swait.ge [sflag:s11], $0x800  }
.LBB2_4:
0x1a: {  	s19 =	sshra.s32 s18, $0x2;
	[sflag:s11] =	ssyncset.done $0x0;
	p0 =	sne.s32 s18, $0x4E000  }
.Ltmp1:
0x1b: {  	s19 =	sadd.s32 s19, s5;
	[sflag:s11] =	ssyncadd.s32 $0xFFFFF800;
	(pc) =	sbr.rel @p0 .LBB2_4-.Ltmp1, $3  }
0x1c: {  	[spmem:s19] =	stream.linear.scatter [tilespmem:s10], [sflag:$0x2], $0x800, $0x38;
	[tilespmem:$0x18900] =	vst v63  }
0x1d: {  	s18 =	sadd.s32 $0x2000, s18;
	_ =	sdelay $0x1  }
0x1e: {  	_ =	swait.ge [sflag:s11], $0x800  }
0x1f: {  	[sflag:s11] =	ssyncset.done $0x0  }
0x20: {  	[sflag:s11] =	ssyncadd.s32 $0xFFFFF800  }
0x21: {  	s18 =	sadd.s32 $0x0, s9;
	[bflag:$0x0] =	sbarrier.arrive $0xFFFF  }
0x22: {  	[tilespmem:s3], [sflag:$0x2] =	stream.linear.gather [hbm4b:s18+s3], $0x80, $0x38;
	[tilespmem:$0x18900] =	vst v63  }
0x23: {  	_ =	swait.ge [sflag:s11], $0x80  }
0x24: {  	[sflag:s11] =	ssyncset.done $0x0  }
0x25: {  	s31 =	sadd.s32 $0x0, s8;
	[sflag:s11] =	ssyncadd.s32 $0xFFFFFF80  }
0x26: {  	[tilespmem:s12], [sflag:$0x2] =	stream.linear.gather [hbm4b:s31+s3], $0x80, $0x38;
	[tilespmem:$0x18900] =	vst v63  }
0x27: {  	_ =	swait.ge [sflag:s11], $0x80  }
0x28: {  	[sflag:s11] =	ssyncset.done $0x0  }
0x29: {  	[sflag:s11] =	ssyncadd.s32 $0xFFFFFF80  }
0x2a: {  	[tilespmem:s13], [sflag:$0x1] =	stream.indirect.gather [hbm4b:s4+s12], $0x80, s3, s12, $0xb8;
	[tilespmem:$0x18900] =	vst v63  }
0x2b: {  	_ =	swait.ge [sflag:s14], $0x4000  }
0x2c: {  	[sflag:s14] =	ssyncset.done $0x0  }
0x2d: {  	[sflag:s14] =	ssyncadd.s32 $0xFFFFC000  }
0x2e: {  	[spmem:s1] =	stream.indirect.scatter.add.f32 [tilespmem:s13], [sflag:$0x2], $0x80, s12, s12, $0xb8;
	[tilespmem:$0x18900] =	vst v63  }
0x2f: {  	_ =	swait.ge [sflag:s11], $0x4000  }
0x30: {  	s19 =	simm.s32 $0x20;
	s18 =	simm.s32 $0x10;
	[sflag:s11] =	ssyncset.done $0x0  }
.LBB2_6:
0x31: {  	s20 =	sadd.s32 s18, s9  }
0x32: {  	[sflag:s11] =	ssyncadd.s32 $0xFFFFC000;
	s21 =	smov.u32 s19;
	s22 =	sadd.s32 $0x10, s19  }
0x33: {  	[tilespmem:s3], [sflag:$0x2] =	stream.linear.gather [hbm4b:s20+s3], $0x80, $0x38;
	[tilespmem:$0x18900] =	vst v63  }
0x34: {  	p0 =	sne.s32 s19, $0x4E0;
	_ =	swait.ge [sflag:s11], $0x80  }
0x35: {  	[sflag:s11] =	ssyncset.done $0x0  }
0x36: {  	s19 =	sadd.s32 s18, s8;
	s18 =	smov.u32 s21;
	[sflag:s11] =	ssyncadd.s32 $0xFFFFFF80  }
0x37: {  	[tilespmem:s12], [sflag:$0x2] =	stream.linear.gather [hbm4b:s19+s3], $0x80, $0x38;
	[tilespmem:$0x18900] =	vst v63  }
0x38: {  	_ =	swait.ge [sflag:s11], $0x80  }
0x39: {  	[sflag:s11] =	ssyncset.done $0x0  }
0x3a: {  	[sflag:s11] =	ssyncadd.s32 $0xFFFFFF80  }
0x3b: {  	[tilespmem:s13], [sflag:$0x1] =	stream.indirect.gather [hbm4b:s4+s12], $0x80, s3, s12, $0xb8;
	[tilespmem:$0x18900] =	vst v63  }
0x3c: {  	_ =	swait.ge [sflag:s14], $0x4000  }
.Ltmp2:
0x3d: {  	[sflag:s14] =	ssyncset.done $0x0;
	(pc) =	sbr.rel @p0 .LBB2_6-.Ltmp2, $4  }
0x3e: {  	[sflag:s14] =	ssyncadd.s32 $0xFFFFC000  }
0x3f: {  	[spmem:s1] =	stream.indirect.scatter.add.f32 [tilespmem:s13], [sflag:$0x2], $0x80, s12, s12, $0xb8;
	[tilespmem:$0x18900] =	vst v63  }
0x40: {  	_ =	swait.ge [sflag:s11], $0x4000  }
0x41: {  	s19 =	smov.u32 s22;
	[sflag:s11] =	ssyncset.done $0x0  }
0x42: {  	s19 =	sadd.s32 s18, s9;
	[sflag:s11] =	ssyncadd.s32 $0xFFFFC000  }
0x43: {  	[tilespmem:s3], [sflag:$0x2] =	stream.linear.gather [hbm4b:s19+s3], $0x80, $0x38;
	[tilespmem:$0x18900] =	vst v63  }
0x44: {  	_ =	swait.ge [sflag:s11], $0x80  }
0x45: {  	[sflag:s11] =	ssyncset.done $0x0  }
0x46: {  	s31 =	sadd.s32 s18, s8;
	[sflag:s11] =	ssyncadd.s32 $0xFFFFFF80  }
0x47: {  	[tilespmem:s12], [sflag:$0x2] =	stream.linear.gather [hbm4b:s31+s3], $0x80, $0x38;
	[tilespmem:$0x18900] =	vst v63  }
0x48: {  	_ =	swait.ge [sflag:s11], $0x80  }
0x49: {  	[sflag:s11] =	ssyncset.done $0x0  }
0x4a: {  	[sflag:s11] =	ssyncadd.s32 $0xFFFFFF80  }
0x4b: {  	[tilespmem:s13], [sflag:$0x1] =	stream.indirect.gather [hbm4b:s4+s12], $0x80, s3, s12, $0xb8;
	[tilespmem:$0x18900] =	vst v63  }
0x4c: {  	_ =	swait.ge [sflag:s14], $0x4000  }
0x4d: {  	[sflag:s14] =	ssyncset.done $0x0  }
0x4e: {  	[sflag:s14] =	ssyncadd.s32 $0xFFFFC000  }
0x4f: {  	[spmem:s1] =	stream.indirect.scatter.add.f32 [tilespmem:s13], [sflag:$0x2], $0x80, s12, s12, $0xb8;
	[tilespmem:$0x18900] =	vst v63  }
0x50: {  	_ =	swait.ge [sflag:s11], $0x4000  }
0x51: {  	s17 =	sadd.s32 $0x1, s17;
	[sflag:s11] =	ssyncset.done $0x0  }
0x52: {  	p0 =	sne.s32 s17, s7;
	[sflag:s11] =	ssyncadd.s32 $0xFFFFC000  }
.Ltmp3:
0x53: {  	[bflag:$0x0] =	sbarrier.arrive $0xFFFF;
	(pc) =	sbr.rel @p0 .LBB2_1-.Ltmp3, $4  }
0x54: {  	[hbm:s6], [sflag:s15] =	dma.local [spmem:s16], $0x2800  }
0x55: {  	_ =	swait.ge [sflag:s11], $0x2800  }
0x56: {  	[sflag:s11] =	ssyncset.done $0x0  }
0x57: {  	[sflag:s11] =	ssyncadd.s32 $0xFFFFD800  }
0x58: {  	_ =	sfence.sel $0x180000  }
0x59: {  	[bflag:$0x0] =	sbarrier.arrive $0xFFFF  }
0x5a: {  	p0 =	sne.s32 s2, $0x0;
	_ =	strace $0x90000050  }
0x5b: {  	s0 =	sadd.s32 @!p0 $0x100000, s0;
	[bflag:$0x2] =	sbarrier.arrive $0xFFFF  }
0x5c: {  	[sflag:s0] =	ssyncadd.tile.s32 @!p0 $0x1;
	_ =	shalt  }
.Lfunc_end2:
_tile_overlayer_lowered:
.L_overlay_start_2:
0x5d: {  	(tag) =	ssettag $0x2  }
0x5e: {  	s0 =	rddreg [dreg:$0x0];
	s2 =	stileid.u32  }
0x5f: {  	s1 =	rddreg [dreg:$0x1];
	p0 =	sne.s32 s2, $0x0  }
0x60: {  	s3 =	rddreg [dreg:$0x2];
	[bflag:$0x3] =	sbarrier.arrive $0xFFFF;
	s2 =	simm.s32 @!p0 $0x1C02  }
0x61: {  	[timem:s3], [sflag:s2] =	dma.local @!p0 [hbm:s0], s1  }
0x62: {  	s0 =	simm.s32 @!p0 $0x2  }
0x63: {  	_ =	swait.ge @!p0 [sflag:s0], s1  }
0x64: {  	s1 =	ssub.s32 @!p0 $0x0, s1;
	[sflag:s0] =	ssyncset.done @!p0 $0x0  }
0x65: {  	[sflag:s0] =	ssyncadd.s32 @!p0 s1  }
0x66: {  	[bflag:$0x3] =	sbarrier.arrive $0xFFFF  }
0x67: {  	_ =	shalt  }

</sc_bundles>
